<compile_context>
chip_gen: v7x
topology: tpu7x:2x2x1
jax: 0.10.2.dev20260603
libtpu: 0.0.44.dev20260713+nightly
codegen_flags: <defaults>
</compile_context>

<pallas_src>
import functools

import jax
import jax.numpy as jnp
from jax import lax
from jax.experimental import pallas as pl
from jax.experimental.pallas import tpu as pltpu
from jax.experimental.pallas import tpu_sc as plsc

DIM = 64
K = 100000
B = 1024
TEMP = 0.07
NCLS = 1000

BK = 4096
NBLK = (K + BK - 1) // BK
RT_PAD = 9344
RT_CLIP = (RT_PAD - BK) // 128

NW = 32
CH = 2000
NCH = K // CH
UNR = 25
CPAD = 1008
HSL = 4000


def _dense_kernel(ptr_ref,
                  ul_ref,
                  q_ref, rtp_ref, rtlp_ref, lq_ref,
                  qnew_ref, lqnew_ref, aexp_ref, qsum_ref):
    i = pl.program_id(0)
    ptr = ptr_ref[0]
    ptr_hi = ptr_ref[1]

    @pl.when(i == 0)
    def _init():
        aexp_ref[...] = jnp.zeros_like(aexp_ref)
        qsum_ref[...] = jnp.zeros_like(qsum_ref)

    col0 = i * BK
    cols = col0 + lax.broadcasted_iota(jnp.int32, (1, BK), 1)
    in_enq = (cols >= ptr) & (cols < ptr + B)
    valid = cols < K

    s = 128 * jnp.clip((i + 1) * (BK // 128) - ptr_hi, 0, RT_CLIP)
    rt_blk = rtp_ref[:, pl.ds(s, BK)]
    qnew = jnp.where(in_enq, rt_blk, q_ref[...])
    qnew_ref[...] = qnew
    lqnew_ref[...] = jnp.where(in_enq, rtlp_ref[:, pl.ds(s, BK)], lq_ref[...])

    logits = lax.dot_general(
        ul_ref[...], qnew.astype(jnp.bfloat16),
        (((1,), (0,)), ((), ())),
        preferred_element_type=jnp.float32,
    )

    @pl.when(i < NBLK - 1)
    def _full_block():
        e = jnp.exp(logits.astype(jnp.bfloat16))
        aexp_ref[...] += jnp.sum(e, axis=1, keepdims=True).astype(jnp.float32)
        qsum_ref[...] += jnp.sum(qnew, axis=1, keepdims=True)

    @pl.when(i == NBLK - 1)
    def _tail_block():
        aexp_ref[...] += jnp.sum(jnp.where(valid, jnp.exp(logits), 0.0),
                                 axis=1, keepdims=True)
        qsum_ref[...] += jnp.sum(jnp.where(valid, qnew, 0.0),
                                 axis=1, keepdims=True)


def _seg_kernel(qflat, labp, ct_hbm, hp_hbm,
                la_v, lb_v, va0, va1, vb0, vb1, c0_v, c1_v, h_v,
                sla, sa0, sa1, slb, sb0, sb1):
    wid = lax.axis_index("s") * 2 + lax.axis_index("c")
    r0 = 2 * wid

    def zbody(t, _):
        z = jnp.zeros((16,), jnp.float32)
        c0_v[pl.ds(t * 16, 16)] = z
        c1_v[pl.ds(t * 16, 16)] = z
        h_v[pl.ds(t * 16, 16)] = z
        return 0
    lax.fori_loop(0, CPAD // 16, zbody, 0)

    base0 = r0 * K
    base1 = (r0 + 1) * K

    def start(c, lv, v0, v1, sl, s0, s1):
        off = c * CH
        pltpu.async_copy(labp.at[pl.ds(off, CH)], lv, sl)
        pltpu.async_copy(qflat.at[pl.ds(base0 + off, CH)], v0, s0)
        pltpu.async_copy(qflat.at[pl.ds(base1 + off, CH)], v1, s1)

    def wait(c, lv, v0, v1, sl, s0, s1):
        off = c * CH
        pltpu.make_async_copy(labp.at[pl.ds(off, CH)], lv, sl).wait()
        pltpu.make_async_copy(qflat.at[pl.ds(base0 + off, CH)], v0, s0).wait()
        pltpu.make_async_copy(qflat.at[pl.ds(base1 + off, CH)], v1, s1).wait()

    def accum(lv, v0, v1):
        def body(j, _):
            for k in range(UNR):
                sl = pl.ds((j * UNR + k) * 16, 16)
                idx = lv[sl]
                plsc.addupdate_scatter(c0_v, [idx], v0[sl])
                plsc.addupdate_scatter(c1_v, [idx], v1[sl])
            return 0
        lax.fori_loop(0, CH // (16 * UNR), body, 0)

    start(0, la_v, va0, va1, sla, sa0, sa1)

    def pair(t, _):
        ca = 2 * t
        start(ca + 1, lb_v, vb0, vb1, slb, sb0, sb1)
        wait(ca, la_v, va0, va1, sla, sa0, sa1)
        accum(la_v, va0, va1)

        @pl.when(ca + 2 < NCH)
        def _next():
            start(ca + 2, la_v, va0, va1, sla, sa0, sa1)
        wait(ca + 1, lb_v, vb0, vb1, slb, sb0, sb1)
        accum(lb_v, vb0, vb1)
        return 0
    lax.fori_loop(0, NCH // 2, pair, 0)

    onev = jnp.ones((16,), jnp.float32)

    def hpass(p, _):
        pltpu.sync_copy(labp.at[pl.ds(wid * HSL + p * CH, CH)], la_v)

        def hbody(j, _):
            plsc.addupdate_scatter(h_v, [la_v[pl.ds(j * 16, 16)]], onev)
            return 0
        lax.fori_loop(0, CH // 16, hbody, 0)
        return 0
    lax.fori_loop(0, HSL // CH, hpass, 0)

    pltpu.sync_copy(c0_v.at[pl.ds(0, NCLS)], ct_hbm.at[pl.ds(r0 * NCLS, NCLS)])
    pltpu.sync_copy(c1_v.at[pl.ds(0, NCLS)],
                    ct_hbm.at[pl.ds((r0 + 1) * NCLS, NCLS)])
    pltpu.sync_copy(h_v.at[pl.ds(0, NCLS)], hp_hbm.at[pl.ds(wid * NCLS, NCLS)])


def _loss_kernel(aexp_ref, qsum_ref, ulbf_ref, ulf_ref, ulab_ref,
                 ct_ref, hp_ref, qsl_ref, rtbf_ref, lqs_ref, rtl_ref,
                 loss_ref):
    cls = lax.broadcasted_iota(jnp.int32, (1, NCLS), 1).astype(jnp.float32)

    def onehot(lab):
        return jnp.where(lab == cls, 1.0, 0.0).astype(jnp.bfloat16)

    oh_old = onehot(lqs_ref[...])
    oh_rt = onehot(rtl_ref[...])

    def colsum(vals_bf, oh):
        return lax.dot_general(vals_bf, oh, (((1,), (0,)), ((), ())),
                               preferred_element_type=jnp.float32)

    ct = (ct_ref[...] + colsum(rtbf_ref[...], oh_rt)
          - colsum(qsl_ref[...], oh_old))
    hist = (jnp.sum(hp_ref[...], axis=0, keepdims=True)
            + jnp.sum(oh_rt.astype(jnp.float32), axis=0, keepdims=True)
            - jnp.sum(oh_old.astype(jnp.float32), axis=0, keepdims=True))

    m = lax.dot_general(ulbf_ref[...], ct.astype(jnp.bfloat16),
                        (((1,), (0,)), ((), ())),
                        preferred_element_type=jnp.float32)
    eq = ulab_ref[...] == cls
    s_eq = jnp.sum(jnp.where(eq, m, 0.0), axis=1, keepdims=True)
    cnt_eq = jnp.sum(jnp.where(eq, hist, 0.0), axis=1, keepdims=True)

    log_z = jnp.log(aexp_ref[...])
    count = jnp.float32(K) - cnt_eq
    ulcol = jnp.sum(ulf_ref[...], axis=0, keepdims=True)
    sum_all = lax.dot_general(ulcol, qsum_ref[...],
                              (((1,), (0,)), ((), ())),
                              preferred_element_type=jnp.float32)
    num = jnp.sum(count * log_z) - sum_all[0, 0] + jnp.sum(s_eq)
    den = jnp.sum(count)
    loss_ref[...] = (num / den).reshape(1, 1)


@jax.jit
def kernel(ul_feats, rt_feats, queue, label_queue, ul_labels, rt_labels, ptr):
    ptr_i = jnp.asarray(ptr, jnp.int32)
    ptr_arr = jnp.stack([ptr_i, ptr_i // 128])
    off = BK + ptr_i % 128
    rt_t = rt_feats.T
    rtp = lax.dynamic_update_slice(
        jnp.zeros((DIM, RT_PAD), jnp.float32), rt_t, (0, off))
    rt_lab_f = rt_labels.astype(jnp.float32)
    rtlp = lax.dynamic_update_slice(
        jnp.zeros((1, RT_PAD), jnp.float32), rt_lab_f.reshape(1, B), (0, off))
    lq2 = label_queue.reshape(1, K)
    ul_scaled = ul_feats * (1.0 / TEMP)
    ul_bf = ul_scaled.astype(jnp.bfloat16)
    ul_lab = ul_labels.astype(jnp.float32).reshape(B, 1)

    qflat = queue.reshape(DIM * K)
    labp = jnp.pad(label_queue.astype(jnp.int32), (0, NW * HSL - K),
                   constant_values=NCLS)
    seg = functools.partial(
        pl.kernel,
        out_type=[jax.ShapeDtypeStruct((DIM * NCLS,), jnp.float32),
                  jax.ShapeDtypeStruct((NW * NCLS,), jnp.float32)],
        mesh=plsc.VectorSubcoreMesh(core_axis_name="c", subcore_axis_name="s"),
        compiler_params=pltpu.CompilerParams(needs_layout_passes=False,
                                             skip_device_barrier=True),
        scratch_types=[pltpu.VMEM((CH,), jnp.int32),
                       pltpu.VMEM((CH,), jnp.int32),
                       pltpu.VMEM((CH,), jnp.float32),
                       pltpu.VMEM((CH,), jnp.float32),
                       pltpu.VMEM((CH,), jnp.float32),
                       pltpu.VMEM((CH,), jnp.float32),
                       pltpu.VMEM((CPAD,), jnp.float32),
                       pltpu.VMEM((CPAD,), jnp.float32),
                       pltpu.VMEM((CPAD,), jnp.float32),
                       pltpu.SemaphoreType.DMA,
                       pltpu.SemaphoreType.DMA,
                       pltpu.SemaphoreType.DMA,
                       pltpu.SemaphoreType.DMA,
                       pltpu.SemaphoreType.DMA,
                       pltpu.SemaphoreType.DMA],
    )(_seg_kernel)
    ct_flat, hp_flat = seg(qflat, labp)

    grid_spec = pltpu.PrefetchScalarGridSpec(
        num_scalar_prefetch=1,
        grid=(NBLK,),
        in_specs=[
            pl.BlockSpec((B, DIM), lambda i, p: (0, 0)),
            pl.BlockSpec((DIM, BK), lambda i, p: (0, i)),
            pl.BlockSpec((DIM, RT_PAD), lambda i, p: (0, 0)),
            pl.BlockSpec((1, RT_PAD), lambda i, p: (0, 0)),
            pl.BlockSpec((1, BK), lambda i, p: (0, i)),
        ],
        out_specs=[
            pl.BlockSpec((DIM, BK), lambda i, p: (0, i)),
            pl.BlockSpec((1, BK), lambda i, p: (0, i)),
            pl.BlockSpec((B, 1), lambda i, p: (0, 0)),
            pl.BlockSpec((DIM, 1), lambda i, p: (0, 0)),
        ],
    )
    qnew, lqnew, aexp, qsum = pl.pallas_call(
        _dense_kernel,
        grid_spec=grid_spec,
        out_shape=[
            jax.ShapeDtypeStruct((DIM, K), jnp.float32),
            jax.ShapeDtypeStruct((1, K), jnp.float32),
            jax.ShapeDtypeStruct((B, 1), jnp.float32),
            jax.ShapeDtypeStruct((DIM, 1), jnp.float32),
        ],
    )(ptr_arr, ul_bf, queue, rtp, rtlp, lq2)

    qsl_bf = lax.dynamic_slice_in_dim(queue, ptr_i, B, axis=1).astype(jnp.bfloat16)
    lqs = lax.dynamic_slice_in_dim(label_queue, ptr_i, B).reshape(B, 1)
    rt_bf = rt_t.astype(jnp.bfloat16)

    loss = pl.pallas_call(
        _loss_kernel,
        out_shape=jax.ShapeDtypeStruct((1, 1), jnp.float32),
    )(aexp, qsum, ul_bf, ul_scaled, ul_lab,
      ct_flat.reshape(DIM, NCLS), hp_flat.reshape(NW, NCLS),
      qsl_bf, rt_bf, lqs, rt_lab_f.reshape(B, 1))

    return (loss[0, 0], qnew, lqnew.reshape(K))

# --- scband reference (transcript-rebuilt; emitter-appended) ---
"""Pipeline reference for scband-moco-unlearn-37726992728217 (READ-ONLY COPY).

The authoritative reference and input builder live on the scoring server;
editing this copy changes nothing except your own understanding.
"""

import jax, jax.numpy as jnp
import numpy as np

DIM = 64
K = 100000
B = 1024
TEMP = 0.07
PTR = 5000


def setup_inputs(seed: int = 0) -> dict:
    key = jax.random.key(seed)
    ks = jax.random.split(key, 6)
    # Scale features down (MoCo-style features are ~unit scale before /temp);
    # raw randn dotted over 64 dims divided by temp=0.07 overflows exp().
    ul_feats = jax.random.normal(ks[0], (B, DIM), dtype=jnp.float32) * 0.05
    rt_feats = jax.random.normal(ks[1], (B, DIM), dtype=jnp.float32) * 0.05
    queue = jax.random.normal(ks[2], (DIM, K), dtype=jnp.float32) * 0.05
    label_queue = jax.random.randint(ks[3], (K,), 0, 1000).astype(jnp.float32)
    ul_labels = jax.random.randint(ks[4], (B,), 0, 1000)
    rt_labels = jax.random.randint(ks[5], (B,), 0, 1000)
    return {
        "ul_feats": ul_feats,
        "rt_feats": rt_feats,
        "queue": queue,
        "label_queue": label_queue,
        "ul_labels": ul_labels,
        "rt_labels": rt_labels,
        "ptr": PTR,
    }


def reference(ul_feats, rt_feats, queue, label_queue, ul_labels, rt_labels, ptr):
    # _dequeue_and_enqueue: scatter-overwrite rt_feats.T into queue columns [ptr:ptr+B)
    # (ptr + B <= K by construction, so no wrap-around branch)
    queue_new = jax.lax.dynamic_update_slice(queue, rt_feats.T, (0, ptr))
    # _dequeue_and_enqueue_labels: scatter-overwrite labels into label_queue [ptr:ptr+B)
    label_queue_new = jax.lax.dynamic_update_slice(
        label_queue, rt_labels.astype(jnp.float32), (ptr,)
    )
    # Full-queue branch (abs_queue_ptr >= K):
    # logits = einsum('nc,ck->nk', ul_feats, queue.detach())
    logits = jnp.einsum("nc,ck->nk", ul_feats, jax.lax.stop_gradient(queue_new))
    # pos_mask = ~eq(ul_labels.view(-1,1), label_queue)
    pos_mask = ~jnp.equal(
        ul_labels.astype(jnp.float32)[:, None], label_queue_new[None, :]
    )
    logits = logits / TEMP
    # criterion: log_softmax = logits - log(sum(exp(logits), dim=1, keepdim=True))
    log_softmax = logits - jnp.log(jnp.sum(jnp.exp(logits), axis=1, keepdims=True))
    nll = -log_softmax
    m = pos_mask.astype(jnp.float32)
    ul_loss = jnp.sum(nll * m) / jnp.sum(m)  # mean over masked entries
    return (ul_loss, queue_new, label_queue_new)

if __name__ == "__main__":
    import jax
    _d = setup_inputs()
    print(jax.jit(kernel)(*tuple(_d.values())))

</pallas_src>

<mosaic_0001>
#map = affine_map<(d0, d1) -> (0)>
module attributes {stable_mosaic.version = 14 : i64} {
  func.func @_seg_kernel(%arg0: i32, %arg1: i32, %arg2: memref<6400000xf32, #tpu.memory_space<hbm>>, %arg3: memref<128000xi32, #tpu.memory_space<hbm>>, %arg4: memref<64000xf32, #tpu.memory_space<hbm>>, %arg5: memref<32000xf32, #tpu.memory_space<hbm>>, %arg6: memref<2000xi32, #tpu.memory_space<vmem>>, %arg7: memref<2000xi32, #tpu.memory_space<vmem>>, %arg8: memref<2000xf32, #tpu.memory_space<vmem>>, %arg9: memref<2000xf32, #tpu.memory_space<vmem>>, %arg10: memref<2000xf32, #tpu.memory_space<vmem>>, %arg11: memref<2000xf32, #tpu.memory_space<vmem>>, %arg12: memref<1008xf32, #tpu.memory_space<vmem>>, %arg13: memref<1008xf32, #tpu.memory_space<vmem>>, %arg14: memref<1008xf32, #tpu.memory_space<vmem>>, %arg15: memref<!tpu.dma_semaphore, #tpu.memory_space<semaphore_mem>>, %arg16: memref<!tpu.dma_semaphore, #tpu.memory_space<semaphore_mem>>, %arg17: memref<!tpu.dma_semaphore, #tpu.memory_space<semaphore_mem>>, %arg18: memref<!tpu.dma_semaphore, #tpu.memory_space<semaphore_mem>>, %arg19: memref<!tpu.dma_semaphore, #tpu.memory_space<semaphore_mem>>, %arg20: memref<!tpu.dma_semaphore, #tpu.memory_space<semaphore_mem>>) attributes {dimension_semantics = [#tpu.dimension_semantics<core_parallel>, #tpu.dimension_semantics<subcore_parallel>], iteration_bounds = array<i64: 2, 16>, scalar_prefetch = 0 : i64, scratch_operands = 15 : i64, tpu.core_type = #tpu.core_type<sc_vector_subcore>, window_params = [{transform_indices = #map}, {transform_indices = #map}, {transform_indices = #map}, {transform_indices = #map}]} {
    %mul3A = arith.constant 2 : i32
    %mul3A_0 = arith.muli %arg1, %mul3A : i32
    %add3A = arith.addi %mul3A_0, %arg0 : i32
    %mul3A_1 = arith.constant 2 : i32
    %mul3A_2 = arith.muli %mul3A_1, %add3A : i32
    %scan3A = arith.constant 0 : i32
    %scan3A_3 = arith.constant 0 : i32
    %scan3A_4 = arith.constant 63 : i32
    %scan3A_5 = arith.addi %scan3A_3, %scan3A_4 : i32
    %scan3A_6 = arith.constant 1 : i32
    %scan3A_7 = scf.for %scan3A_49 = %scan3A_3 to %scan3A_5 step %scan3A_6 iter_args(%scan3A_50 = %scan3A) -> (i32)  : i32 {
      %broadcast_in_dim3A_51 = arith.constant 0.000000e+00 : f32
      %broadcast_in_dim3A_52 = vector.broadcast %broadcast_in_dim3A_51 : f32 to vector<16xf32>
      %mul3A_53 = arith.constant 16 : i32
      %mul3A_54 = arith.muli %scan3A_49, %mul3A_53 : i32
      %swap3A = arith.index_cast %mul3A_54 : i32 to index
      %swap3A_55 = tpu.vector_load %arg12[%swap3A] {strides = array<i32>} : memref<1008xf32, #tpu.memory_space<vmem>>, vector<16xf32>,
      tpu.vector_store %arg12[%swap3A], %broadcast_in_dim3A_52 {strides = array<i32>} : memref<1008xf32, #tpu.memory_space<vmem>>, vector<16xf32>,
      %mul3A_56 = arith.constant 16 : i32
      %mul3A_57 = arith.muli %scan3A_49, %mul3A_56 : i32
      %swap3A_58 = arith.index_cast %mul3A_57 : i32 to index
      %swap3A_59 = tpu.vector_load %arg13[%swap3A_58] {strides = array<i32>} : memref<1008xf32, #tpu.memory_space<vmem>>, vector<16xf32>,
      tpu.vector_store %arg13[%swap3A_58], %broadcast_in_dim3A_52 {strides = array<i32>} : memref<1008xf32, #tpu.memory_space<vmem>>, vector<16xf32>,
      %mul3A_60 = arith.constant 16 : i32
      %mul3A_61 = arith.muli %scan3A_49, %mul3A_60 : i32
      %swap3A_62 = arith.index_cast %mul3A_61 : i32 to index
      %swap3A_63 = tpu.vector_load %arg14[%swap3A_62] {strides = array<i32>} : memref<1008xf32, #tpu.memory_space<vmem>>, vector<16xf32>,
      tpu.vector_store %arg14[%swap3A_62], %broadcast_in_dim3A_52 {strides = array<i32>} : memref<1008xf32, #tpu.memory_space<vmem>>, vector<16xf32>,
      %scan3A_64 = arith.constant 0 : i32
      scf.yield %scan3A_64 : i32
    }
    %scan3A_8 = arith.constant 63 : i32
    %mul3A_9 = arith.constant 100000 : i32
    %mul3A_10 = arith.muli %mul3A_2, %mul3A_9 : i32
    %add3A_11 = arith.constant 1 : i32
    %add3A_12 = arith.addi %mul3A_2, %add3A_11 : i32
    %mul3A_13 = arith.constant 100000 : i32
    %mul3A_14 = arith.muli %add3A_12, %mul3A_13 : i32
    %dma_start3A = arith.constant 0 : i32
    %dma_start3A_15 = tpu.memref_slice %arg3[%dma_start3A] : memref<128000xi32, #tpu.memory_space<hbm>> -> memref<2000xi32, #tpu.memory_space<hbm>>
    %dma_start3A_16 = arith.constant 0 : i32
    %dma_start3A_17 = tpu.memref_slice %arg3[%dma_start3A_16] : memref<128000xi32, #tpu.memory_space<hbm>> -> memref<2000xi32, #tpu.memory_space<hbm>>
    tpu.enqueue_dma source(%dma_start3A_17 : memref<2000xi32, #tpu.memory_space<hbm>>) target(%arg6 : memref<2000xi32, #tpu.memory_space<vmem>>) target_semaphore(%arg15 : memref<!tpu.dma_semaphore, #tpu.memory_space<semaphore_mem>>)
    %add3A_18 = arith.constant 0 : i32
    %add3A_19 = arith.addi %mul3A_10, %add3A_18 : i32
    %dma_start3A_20 = tpu.memref_slice %arg2[%add3A_19] : memref<6400000xf32, #tpu.memory_space<hbm>> -> memref<2000xf32, #tpu.memory_space<hbm>>
    %dma_start3A_21 = tpu.memref_slice %arg2[%add3A_19] : memref<6400000xf32, #tpu.memory_space<hbm>> -> memref<2000xf32, #tpu.memory_space<hbm>>
    tpu.enqueue_dma source(%dma_start3A_21 : memref<2000xf32, #tpu.memory_space<hbm>>) target(%arg8 : memref<2000xf32, #tpu.memory_space<vmem>>) target_semaphore(%arg16 : memref<!tpu.dma_semaphore, #tpu.memory_space<semaphore_mem>>)
    %add3A_22 = arith.constant 0 : i32
    %add3A_23 = arith.addi %mul3A_14, %add3A_22 : i32
    %dma_start3A_24 = tpu.memref_slice %arg2[%add3A_23] : memref<6400000xf32, #tpu.memory_space<hbm>> -> memref<2000xf32, #tpu.memory_space<hbm>>
    %dma_start3A_25 = tpu.memref_slice %arg2[%add3A_23] : memref<6400000xf32, #tpu.memory_space<hbm>> -> memref<2000xf32, #tpu.memory_space<hbm>>
    tpu.enqueue_dma source(%dma_start3A_25 : memref<2000xf32, #tpu.memory_space<hbm>>) target(%arg9 : memref<2000xf32, #tpu.memory_space<vmem>>) target_semaphore(%arg17 : memref<!tpu.dma_semaphore, #tpu.memory_space<semaphore_mem>>)
    %scan3A_26 = arith.constant 0 : i32
    %scan3A_27 = arith.constant 0 : i32
    %scan3A_28 = arith.constant 25 : i32
    %scan3A_29 = arith.addi %scan3A_27, %scan3A_28 : i32
    %scan3A_30 = arith.constant 1 : i32
    %scan3A_31 = scf.for %scan3A_49 = %scan3A_27 to %scan3A_29 step %scan3A_30 iter_args(%scan3A_50 = %scan3A_26) -> (i32)  : i32 {
      %mul3A_51 = arith.constant 2 : i32
      %mul3A_52 = arith.muli %mul3A_51, %scan3A_49 : i32
      %add3A_53 = arith.constant 1 : i32
      %add3A_54 = arith.addi %mul3A_52, %add3A_53 : i32
      %mul3A_55 = arith.constant 2000 : i32
      %mul3A_56 = arith.muli %add3A_54, %mul3A_55 : i32
      %dma_start3A_57 = tpu.memref_slice %arg3[%mul3A_56] : memref<128000xi32, #tpu.memory_space<hbm>> -> memref<2000xi32, #tpu.memory_space<hbm>>
      %dma_start3A_58 = tpu.memref_slice %arg3[%mul3A_56] : memref<128000xi32, #tpu.memory_space<hbm>> -> memref<2000xi32, #tpu.memory_space<hbm>>
      tpu.enqueue_dma source(%dma_start3A_58 : memref<2000xi32, #tpu.memory_space<hbm>>) target(%arg7 : memref<2000xi32, #tpu.memory_space<vmem>>) target_semaphore(%arg18 : memref<!tpu.dma_semaphore, #tpu.memory_space<semaphore_mem>>)
      %add3A_59 = arith.addi %mul3A_10, %mul3A_56 : i32
      %dma_start3A_60 = tpu.memref_slice %arg2[%add3A_59] : memref<6400000xf32, #tpu.memory_space<hbm>> -> memref<2000xf32, #tpu.memory_space<hbm>>
      %dma_start3A_61 = tpu.memref_slice %arg2[%add3A_59] : memref<6400000xf32, #tpu.memory_space<hbm>> -> memref<2000xf32, #tpu.memory_space<hbm>>
      tpu.enqueue_dma source(%dma_start3A_61 : memref<2000xf32, #tpu.memory_space<hbm>>) target(%arg10 : memref<2000xf32, #tpu.memory_space<vmem>>) target_semaphore(%arg19 : memref<!tpu.dma_semaphore, #tpu.memory_space<semaphore_mem>>)
      %add3A_62 = arith.addi %mul3A_14, %mul3A_56 : i32
      %dma_start3A_63 = tpu.memref_slice %arg2[%add3A_62] : memref<6400000xf32, #tpu.memory_space<hbm>> -> memref<2000xf32, #tpu.memory_space<hbm>>
      %dma_start3A_64 = tpu.memref_slice %arg2[%add3A_62] : memref<6400000xf32, #tpu.memory_space<hbm>> -> memref<2000xf32, #tpu.memory_space<hbm>>
      tpu.enqueue_dma source(%dma_start3A_64 : memref<2000xf32, #tpu.memory_space<hbm>>) target(%arg11 : memref<2000xf32, #tpu.memory_space<vmem>>) target_semaphore(%arg20 : memref<!tpu.dma_semaphore, #tpu.memory_space<semaphore_mem>>)
      %mul3A_65 = arith.constant 2000 : i32
      %mul3A_66 = arith.muli %mul3A_52, %mul3A_65 : i32
      %dma_wait3A = tpu.memref_slice %arg3[%mul3A_66] : memref<128000xi32, #tpu.memory_space<hbm>> -> memref<2000xi32, #tpu.memory_space<hbm>>
      %dma_wait3A_67 = tpu.memref_slice %arg3[%mul3A_66] : memref<128000xi32, #tpu.memory_space<hbm>> -> memref<2000xi32, #tpu.memory_space<hbm>>
      tpu.wait_dma2 semaphore(%arg15 : memref<!tpu.dma_semaphore, #tpu.memory_space<semaphore_mem>>) src(%dma_wait3A_67 : memref<2000xi32, #tpu.memory_space<hbm>>) dst(%arg6 : memref<2000xi32, #tpu.memory_space<vmem>>)
      %add3A_68 = arith.addi %mul3A_10, %mul3A_66 : i32
      %dma_wait3A_69 = tpu.memref_slice %arg2[%add3A_68] : memref<6400000xf32, #tpu.memory_space<hbm>> -> memref<2000xf32, #tpu.memory_space<hbm>>
      %dma_wait3A_70 = tpu.memref_slice %arg2[%add3A_68] : memref<6400000xf32, #tpu.memory_space<hbm>> -> memref<2000xf32, #tpu.memory_space<hbm>>
      tpu.wait_dma2 semaphore(%arg16 : memref<!tpu.dma_semaphore, #tpu.memory_space<semaphore_mem>>) src(%dma_wait3A_70 : memref<2000xf32, #tpu.memory_space<hbm>>) dst(%arg8 : memref<2000xf32, #tpu.memory_space<vmem>>)
      %add3A_71 = arith.addi %mul3A_14, %mul3A_66 : i32
      %dma_wait3A_72 = tpu.memref_slice %arg2[%add3A_71] : memref<6400000xf32, #tpu.memory_space<hbm>> -> memref<2000xf32, #tpu.memory_space<hbm>>
      %dma_wait3A_73 = tpu.memref_slice %arg2[%add3A_71] : memref<6400000xf32, #tpu.memory_space<hbm>> -> memref<2000xf32, #tpu.memory_space<hbm>>
      tpu.wait_dma2 semaphore(%arg17 : memref<!tpu.dma_semaphore, #tpu.memory_space<semaphore_mem>>) src(%dma_wait3A_73 : memref<2000xf32, #tpu.memory_space<hbm>>) dst(%arg9 : memref<2000xf32, #tpu.memory_space<vmem>>)
      %scan3A_74 = arith.constant 0 : i32
      %scan3A_75 = arith.constant 0 : i32
      %scan3A_76 = arith.constant 5 : i32
      %scan3A_77 = arith.addi %scan3A_75, %scan3A_76 : i32
      %scan3A_78 = arith.constant 1 : i32
      %scan3A_79 = scf.for %scan3A_105 = %scan3A_75 to %scan3A_77 step %scan3A_78 iter_args(%scan3A_106 = %scan3A_74) -> (i32)  : i32 {
        %mul3A_107 = arith.constant 25 : i32
        %mul3A_108 = arith.muli %scan3A_105, %mul3A_107 : i32
        %add3A_109 = arith.constant 0 : i32
        %add3A_110 = arith.addi %mul3A_108, %add3A_109 : i32
        %mul3A_111 = arith.constant 16 : i32
        %mul3A_112 = arith.muli %add3A_110, %mul3A_111 : i32
        %get3A = arith.index_cast %mul3A_112 : i32 to index
        %get3A_113 = tpu.vector_load %arg6[%get3A] {strides = array<i32>} : memref<2000xi32, #tpu.memory_space<vmem>>, vector<16xi32>,
        %get3A_114 = arith.index_cast %mul3A_112 : i32 to index
        %get3A_115 = tpu.vector_load %arg8[%get3A_114] {strides = array<i32>} : memref<2000xf32, #tpu.memory_space<vmem>>, vector<16xf32>,
        tpu.vector_store_idx %arg12[%get3A_113], %get3A_115 {add = true} : memref<1008xf32, #tpu.memory_space<vmem>>[vector<16xi32>], vector<16xf32>,
        %get3A_116 = arith.index_cast %mul3A_112 : i32 to index
        %get3A_117 = tpu.vector_load %arg9[%get3A_116] {strides = array<i32>} : memref<2000xf32, #tpu.memory_space<vmem>>, vector<16xf32>,
        tpu.vector_store_idx %arg13[%get3A_113], %get3A_117 {add = true} : memref<1008xf32, #tpu.memory_space<vmem>>[vector<16xi32>], vector<16xf32>,
        %mul3A_118 = arith.constant 25 : i32
        %mul3A_119 = arith.muli %scan3A_105, %mul3A_118 : i32
        %add3A_120 = arith.constant 1 : i32
        %add3A_121 = arith.addi %mul3A_119, %add3A_120 : i32
        %mul3A_122 = arith.constant 16 : i32
        %mul3A_123 = arith.muli %add3A_121, %mul3A_122 : i32
        %get3A_124 = arith.index_cast %mul3A_123 : i32 to index
        %get3A_125 = tpu.vector_load %arg6[%get3A_124] {strides = array<i32>} : memref<2000xi32, #tpu.memory_space<vmem>>, vector<16xi32>,
        %get3A_126 = arith.index_cast %mul3A_123 : i32 to index
        %get3A_127 = tpu.vector_load %arg8[%get3A_126] {strides = array<i32>} : memref<2000xf32, #tpu.memory_space<vmem>>, vector<16xf32>,
        tpu.vector_store_idx %arg12[%get3A_125], %get3A_127 {add = true} : memref<1008xf32, #tpu.memory_space<vmem>>[vector<16xi32>], vector<16xf32>,
        %get3A_128 = arith.index_cast %mul3A_123 : i32 to index
        %get3A_129 = tpu.vector_load %arg9[%get3A_128] {strides = array<i32>} : memref<2000xf32, #tpu.memory_space<vmem>>, vector<16xf32>,
        tpu.vector_store_idx %arg13[%get3A_125], %get3A_129 {add = true} : memref<1008xf32, #tpu.memory_space<vmem>>[vector<16xi32>], vector<16xf32>,
        %mul3A_130 = arith.constant 25 : i32
        %mul3A_131 = arith.muli %scan3A_105, %mul3A_130 : i32
        %add3A_132 = arith.constant 2 : i32
        %add3A_133 = arith.addi %mul3A_131, %add3A_132 : i32
        %mul3A_134 = arith.constant 16 : i32
        %mul3A_135 = arith.muli %add3A_133, %mul3A_134 : i32
        %get3A_136 = arith.index_cast %mul3A_135 : i32 to index
        %get3A_137 = tpu.vector_load %arg6[%get3A_136] {strides = array<i32>} : memref<2000xi32, #tpu.memory_space<vmem>>, vector<16xi32>,
        %get3A_138 = arith.index_cast %mul3A_135 : i32 to index
        %get3A_139 = tpu.vector_load %arg8[%get3A_138] {strides = array<i32>} : memref<2000xf32, #tpu.memory_space<vmem>>, vector<16xf32>,
        tpu.vector_store_idx %arg12[%get3A_137], %get3A_139 {add = true} : memref<1008xf32, #tpu.memory_space<vmem>>[vector<16xi32>], vector<16xf32>,
        %get3A_140 = arith.index_cast %mul3A_135 : i32 to index
        %get3A_141 = tpu.vector_load %arg9[%get3A_140] {strides = array<i32>} : memref<2000xf32, #tpu.memory_space<vmem>>, vector<16xf32>,
        tpu.vector_store_idx %arg13[%get3A_137], %get3A_141 {add = true} : memref<1008xf32, #tpu.memory_space<vmem>>[vector<16xi32>], vector<16xf32>,
        %mul3A_142 = arith.constant 25 : i32
        %mul3A_143 = arith.muli %scan3A_105, %mul3A_142 : i32
        %add3A_144 = arith.constant 3 : i32
        %add3A_145 = arith.addi %mul3A_143, %add3A_144 : i32
        %mul3A_146 = arith.constant 16 : i32
        %mul3A_147 = arith.muli %add3A_145, %mul3A_146 : i32
        %get3A_148 = arith.index_cast %mul3A_147 : i32 to index
        %get3A_149 = tpu.vector_load %arg6[%get3A_148] {strides = array<i32>} : memref<2000xi32, #tpu.memory_space<vmem>>, vector<16xi32>,
        %get3A_150 = arith.index_cast %mul3A_147 : i32 to index
        %get3A_151 = tpu.vector_load %arg8[%get3A_150] {strides = array<i32>} : memref<2000xf32, #tpu.memory_space<vmem>>, vector<16xf32>,
        tpu.vector_store_idx %arg12[%get3A_149], %get3A_151 {add = true} : memref<1008xf32, #tpu.memory_space<vmem>>[vector<16xi32>], vector<16xf32>,
        %get3A_152 = arith.index_cast %mul3A_147 : i32 to index
        %get3A_153 = tpu.vector_load %arg9[%get3A_152] {strides = array<i32>} : memref<2000xf32, #tpu.memory_space<vmem>>, vector<16xf32>,
        tpu.vector_store_idx %arg13[%get3A_149], %get3A_153 {add = true} : memref<1008xf32, #tpu.memory_space<vmem>>[vector<16xi32>], vector<16xf32>,
        %mul3A_154 = arith.constant 25 : i32
        %mul3A_155 = arith.muli %scan3A_105, %mul3A_154 : i32
        %add3A_156 = arith.constant 4 : i32
        %add3A_157 = arith.addi %mul3A_155, %add3A_156 : i32
        %mul3A_158 = arith.constant 16 : i32
        %mul3A_159 = arith.muli %add3A_157, %mul3A_158 : i32
        %get3A_160 = arith.index_cast %mul3A_159 : i32 to index
        %get3A_161 = tpu.vector_load %arg6[%get3A_160] {strides = array<i32>} : memref<2000xi32, #tpu.memory_space<vmem>>, vector<16xi32>,
        %get3A_162 = arith.index_cast %mul3A_159 : i32 to index
        %get3A_163 = tpu.vector_load %arg8[%get3A_162] {strides = array<i32>} : memref<2000xf32, #tpu.memory_space<vmem>>, vector<16xf32>,
        tpu.vector_store_idx %arg12[%get3A_161], %get3A_163 {add = true} : memref<1008xf32, #tpu.memory_space<vmem>>[vector<16xi32>], vector<16xf32>,
        %get3A_164 = arith.index_cast %mul3A_159 : i32 to index
        %get3A_165 = tpu.vector_load %arg9[%get3A_164] {strides = array<i32>} : memref<2000xf32, #tpu.memory_space<vmem>>, vector<16xf32>,
        tpu.vector_store_idx %arg13[%get3A_161], %get3A_165 {add = true} : memref<1008xf32, #tpu.memory_space<vmem>>[vector<16xi32>], vector<16xf32>,
        %mul3A_166 = arith.constant 25 : i32
        %mul3A_167 = arith.muli %scan3A_105, %mul3A_166 : i32
        %add3A_168 = arith.constant 5 : i32
        %add3A_169 = arith.addi %mul3A_167, %add3A_168 : i32
        %mul3A_170 = arith.constant 16 : i32
        %mul3A_171 = arith.muli %add3A_169, %mul3A_170 : i32
        %get3A_172 = arith.index_cast %mul3A_171 : i32 to index
        %get3A_173 = tpu.vector_load %arg6[%get3A_172] {strides = array<i32>} : memref<2000xi32, #tpu.memory_space<vmem>>, vector<16xi32>,
        %get3A_174 = arith.index_cast %mul3A_171 : i32 to index
        %get3A_175 = tpu.vector_load %arg8[%get3A_174] {strides = array<i32>} : memref<2000xf32, #tpu.memory_space<vmem>>, vector<16xf32>,
        tpu.vector_store_idx %arg12[%get3A_173], %get3A_175 {add = true} : memref<1008xf32, #tpu.memory_space<vmem>>[vector<16xi32>], vector<16xf32>,
        %get3A_176 = arith.index_cast %mul3A_171 : i32 to index
        %get3A_177 = tpu.vector_load %arg9[%get3A_176] {strides = array<i32>} : memref<2000xf32, #tpu.memory_space<vmem>>, vector<16xf32>,
        tpu.vector_store_idx %arg13[%get3A_173], %get3A_177 {add = true} : memref<1008xf32, #tpu.memory_space<vmem>>[vector<16xi32>], vector<16xf32>,
        %mul3A_178 = arith.constant 25 : i32
        %mul3A_179 = arith.muli %scan3A_105, %mul3A_178 : i32
        %add3A_180 = arith.constant 6 : i32
        %add3A_181 = arith.addi %mul3A_179, %add3A_180 : i32
        %mul3A_182 = arith.constant 16 : i32
        %mul3A_183 = arith.muli %add3A_181, %mul3A_182 : i32
        %get3A_184 = arith.index_cast %mul3A_183 : i32 to index
        %get3A_185 = tpu.vector_load %arg6[%get3A_184] {strides = array<i32>} : memref<2000xi32, #tpu.memory_space<vmem>>, vector<16xi32>,
        %get3A_186 = arith.index_cast %mul3A_183 : i32 to index
        %get3A_187 = tpu.vector_load %arg8[%get3A_186] {strides = array<i32>} : memref<2000xf32, #tpu.memory_space<vmem>>, vector<16xf32>,
        tpu.vector_store_idx %arg12[%get3A_185], %get3A_187 {add = true} : memref<1008xf32, #tpu.memory_space<vmem>>[vector<16xi32>], vector<16xf32>,
        %get3A_188 = arith.index_cast %mul3A_183 : i32 to index
        %get3A_189 = tpu.vector_load %arg9[%get3A_188] {strides = array<i32>} : memref<2000xf32, #tpu.memory_space<vmem>>, vector<16xf32>,
        tpu.vector_store_idx %arg13[%get3A_185], %get3A_189 {add = true} : memref<1008xf32, #tpu.memory_space<vmem>>[vector<16xi32>], vector<16xf32>,
        %mul3A_190 = arith.constant 25 : i32
        %mul3A_191 = arith.muli %scan3A_105, %mul3A_190 : i32
        %add3A_192 = arith.constant 7 : i32
        %add3A_193 = arith.addi %mul3A_191, %add3A_192 : i32
        %mul3A_194 = arith.constant 16 : i32
        %mul3A_195 = arith.muli %add3A_193, %mul3A_194 : i32
        %get3A_196 = arith.index_cast %mul3A_195 : i32 to index
        %get3A_197 = tpu.vector_load %arg6[%get3A_196] {strides = array<i32>} : memref<2000xi32, #tpu.memory_space<vmem>>, vector<16xi32>,
        %get3A_198 = arith.index_cast %mul3A_195 : i32 to index
        %get3A_199 = tpu.vector_load %arg8[%get3A_198] {strides = array<i32>} : memref<2000xf32, #tpu.memory_space<vmem>>, vector<16xf32>,
        tpu.vector_store_idx %arg12[%get3A_197], %get3A_199 {add = true} : memref<1008xf32, #tpu.memory_space<vmem>>[vector<16xi32>], vector<16xf32>,
        %get3A_200 = arith.index_cast %mul3A_195 : i32 to index
        %get3A_201 = tpu.vector_load %arg9[%get3A_200] {strides = array<i32>} : memref<2000xf32, #tpu.memory_space<vmem>>, vector<16xf32>,
        tpu.vector_store_idx %arg13[%get3A_197], %get3A_201 {add = true} : memref<1008xf32, #tpu.memory_space<vmem>>[vector<16xi32>], vector<16xf32>,
        %mul3A_202 = arith.constant 25 : i32
        %mul3A_203 = arith.muli %scan3A_105, %mul3A_202 : i32
        %add3A_204 = arith.constant 8 : i32
        %add3A_205 = arith.addi %mul3A_203, %add3A_204 : i32
        %mul3A_206 = arith.constant 16 : i32
        %mul3A_207 = arith.muli %add3A_205, %mul3A_206 : i32
        %get3A_208 = arith.index_cast %mul3A_207 : i32 to index
        %get3A_209 = tpu.vector_load %arg6[%get3A_208] {strides = array<i32>} : memref<2000xi32, #tpu.memory_space<vmem>>, vector<16xi32>,
        %get3A_210 = arith.index_cast %mul3A_207 : i32 to index
        %get3A_211 = tpu.vector_load %arg8[%get3A_210] {strides = array<i32>} : memref<2000xf32, #tpu.memory_space<vmem>>, vector<16xf32>,
        tpu.vector_store_idx %arg12[%get3A_209], %get3A_211 {add = true} : memref<1008xf32, #tpu.memory_space<vmem>>[vector<16xi32>], vector<16xf32>,
        %get3A_212 = arith.index_cast %mul3A_207 : i32 to index
        %get3A_213 = tpu.vector_load %arg9[%get3A_212] {strides = array<i32>} : memref<2000xf32, #tpu.memory_space<vmem>>, vector<16xf32>,
        tpu.vector_store_idx %arg13[%get3A_209], %get3A_213 {add = true} : memref<1008xf32, #tpu.memory_space<vmem>>[vector<16xi32>], vector<16xf32>,
        %mul3A_214 = arith.constant 25 : i32
        %mul3A_215 = arith.muli %scan3A_105, %mul3A_214 : i32
        %add3A_216 = arith.constant 9 : i32
        %add3A_217 = arith.addi %mul3A_215, %add3A_216 : i32
        %mul3A_218 = arith.constant 16 : i32
        %mul3A_219 = arith.muli %add3A_217, %mul3A_218 : i32
        %get3A_220 = arith.index_cast %mul3A_219 : i32 to index
        %get3A_221 = tpu.vector_load %arg6[%get3A_220] {strides = array<i32>} : memref<2000xi32, #tpu.memory_space<vmem>>, vector<16xi32>,
        %get3A_222 = arith.index_cast %mul3A_219 : i32 to index
        %get3A_223 = tpu.vector_load %arg8[%get3A_222] {strides = array<i32>} : memref<2000xf32, #tpu.memory_space<vmem>>, vector<16xf32>,
        tpu.vector_store_idx %arg12[%get3A_221], %get3A_223 {add = true} : memref<1008xf32, #tpu.memory_space<vmem>>[vector<16xi32>], vector<16xf32>,
        %get3A_224 = arith.index_cast %mul3A_219 : i32 to index
        %get3A_225 = tpu.vector_load %arg9[%get3A_224] {strides = array<i32>} : memref<2000xf32, #tpu.memory_space<vmem>>, vector<16xf32>,
        tpu.vector_store_idx %arg13[%get3A_221], %get3A_225 {add = true} : memref<1008xf32, #tpu.memory_space<vmem>>[vector<16xi32>], vector<16xf32>,
        %mul3A_226 = arith.constant 25 : i32
        %mul3A_227 = arith.muli %scan3A_105, %mul3A_226 : i32
        %add3A_228 = arith.constant 10 : i32
        %add3A_229 = arith.addi %mul3A_227, %add3A_228 : i32
        %mul3A_230 = arith.constant 16 : i32
        %mul3A_231 = arith.muli %add3A_229, %mul3A_230 : i32
        %get3A_232 = arith.index_cast %mul3A_231 : i32 to index
        %get3A_233 = tpu.vector_load %arg6[%get3A_232] {strides = array<i32>} : memref<2000xi32, #tpu.memory_space<vmem>>, vector<16xi32>,
        %get3A_234 = arith.index_cast %mul3A_231 : i32 to index
        %get3A_235 = tpu.vector_load %arg8[%get3A_234] {strides = array<i32>} : memref<2000xf32, #tpu.memory_space<vmem>>, vector<16xf32>,
        tpu.vector_store_idx %arg12[%get3A_233], %get3A_235 {add = true} : memref<1008xf32, #tpu.memory_space<vmem>>[vector<16xi32>], vector<16xf32>,
        %get3A_236 = arith.index_cast %mul3A_231 : i32 to index
        %get3A_237 = tpu.vector_load %arg9[%get3A_236] {strides = array<i32>} : memref<2000xf32, #tpu.memory_space<vmem>>, vector<16xf32>,
        tpu.vector_store_idx %arg13[%get3A_233], %get3A_237 {add = true} : memref<1008xf32, #tpu.memory_space<vmem>>[vector<16xi32>], vector<16xf32>,
        %mul3A_238 = arith.constant 25 : i32
        %mul3A_239 = arith.muli %scan3A_105, %mul3A_238 : i32
        %add3A_240 = arith.constant 11 : i32
        %add3A_241 = arith.addi %mul3A_239, %add3A_240 : i32
        %mul3A_242 = arith.constant 16 : i32
        %mul3A_243 = arith.muli %add3A_241, %mul3A_242 : i32
        %get3A_244 = arith.index_cast %mul3A_243 : i32 to index
        %get3A_245 = tpu.vector_load %arg6[%get3A_244] {strides = array<i32>} : memref<2000xi32, #tpu.memory_space<vmem>>, vector<16xi32>,
        %get3A_246 = arith.index_cast %mul3A_243 : i32 to index
        %get3A_247 = tpu.vector_load %arg8[%get3A_246] {strides = array<i32>} : memref<2000xf32, #tpu.memory_space<vmem>>, vector<16xf32>,
        tpu.vector_store_idx %arg12[%get3A_245], %get3A_247 {add = true} : memref<1008xf32, #tpu.memory_space<vmem>>[vector<16xi32>], vector<16xf32>,
        %get3A_248 = arith.index_cast %mul3A_243 : i32 to index
        %get3A_249 = tpu.vector_load %arg9[%get3A_248] {strides = array<i32>} : memref<2000xf32, #tpu.memory_space<vmem>>, vector<16xf32>,
        tpu.vector_store_idx %arg13[%get3A_245], %get3A_249 {add = true} : memref<1008xf32, #tpu.memory_space<vmem>>[vector<16xi32>], vector<16xf32>,
        %mul3A_250 = arith.constant 25 : i32
        %mul3A_251 = arith.muli %scan3A_105, %mul3A_250 : i32
        %add3A_252 = arith.constant 12 : i32
        %add3A_253 = arith.addi %mul3A_251, %add3A_252 : i32
        %mul3A_254 = arith.constant 16 : i32
        %mul3A_255 = arith.muli %add3A_253, %mul3A_254 : i32
        %get3A_256 = arith.index_cast %mul3A_255 : i32 to index
        %get3A_257 = tpu.vector_load %arg6[%get3A_256] {strides = array<i32>} : memref<2000xi32, #tpu.memory_space<vmem>>, vector<16xi32>,
        %get3A_258 = arith.index_cast %mul3A_255 : i32 to index
        %get3A_259 = tpu.vector_load %arg8[%get3A_258] {strides = array<i32>} : memref<2000xf32, #tpu.memory_space<vmem>>, vector<16xf32>,
        tpu.vector_store_idx %arg12[%get3A_257], %get3A_259 {add = true} : memref<1008xf32, #tpu.memory_space<vmem>>[vector<16xi32>], vector<16xf32>,
        %get3A_260 = arith.index_cast %mul3A_255 : i32 to index
        %get3A_261 = tpu.vector_load %arg9[%get3A_260] {strides = array<i32>} : memref<2000xf32, #tpu.memory_space<vmem>>, vector<16xf32>,
        tpu.vector_store_idx %arg13[%get3A_257], %get3A_261 {add = true} : memref<1008xf32, #tpu.memory_space<vmem>>[vector<16xi32>], vector<16xf32>,
        %mul3A_262 = arith.constant 25 : i32
        %mul3A_263 = arith.muli %scan3A_105, %mul3A_262 : i32
        %add3A_264 = arith.constant 13 : i32
        %add3A_265 = arith.addi %mul3A_263, %add3A_264 : i32
        %mul3A_266 = arith.constant 16 : i32
        %mul3A_267 = arith.muli %add3A_265, %mul3A_266 : i32
        %get3A_268 = arith.index_cast %mul3A_267 : i32 to index
        %get3A_269 = tpu.vector_load %arg6[%get3A_268] {strides = array<i32>} : memref<2000xi32, #tpu.memory_space<vmem>>, vector<16xi32>,
        %get3A_270 = arith.index_cast %mul3A_267 : i32 to index
        %get3A_271 = tpu.vector_load %arg8[%get3A_270] {strides = array<i32>} : memref<2000xf32, #tpu.memory_space<vmem>>, vector<16xf32>,
        tpu.vector_store_idx %arg12[%get3A_269], %get3A_271 {add = true} : memref<1008xf32, #tpu.memory_space<vmem>>[vector<16xi32>], vector<16xf32>,
        %get3A_272 = arith.index_cast %mul3A_267 : i32 to index
        %get3A_273 = tpu.vector_load %arg9[%get3A_272] {strides = array<i32>} : memref<2000xf32, #tpu.memory_space<vmem>>, vector<16xf32>,
        tpu.vector_store_idx %arg13[%get3A_269], %get3A_273 {add = true} : memref<1008xf32, #tpu.memory_space<vmem>>[vector<16xi32>], vector<16xf32>,
        %mul3A_274 = arith.constant 25 : i32
        %mul3A_275 = arith.muli %scan3A_105, %mul3A_274 : i32
        %add3A_276 = arith.constant 14 : i32
        %add3A_277 = arith.addi %mul3A_275, %add3A_276 : i32
        %mul3A_278 = arith.constant 16 : i32
        %mul3A_279 = arith.muli %add3A_277, %mul3A_278 : i32
        %get3A_280 = arith.index_cast %mul3A_279 : i32 to index
        %get3A_281 = tpu.vector_load %arg6[%get3A_280] {strides = array<i32>} : memref<2000xi32, #tpu.memory_space<vmem>>, vector<16xi32>,
        %get3A_282 = arith.index_cast %mul3A_279 : i32 to index
        %get3A_283 = tpu.vector_load %arg8[%get3A_282] {strides = array<i32>} : memref<2000xf32, #tpu.memory_space<vmem>>, vector<16xf32>,
        tpu.vector_store_idx %arg12[%get3A_281], %get3A_283 {add = true} : memref<1008xf32, #tpu.memory_space<vmem>>[vector<16xi32>], vector<16xf32>,
        %get3A_284 = arith.index_cast %mul3A_279 : i32 to index
        %get3A_285 = tpu.vector_load %arg9[%get3A_284] {strides = array<i32>} : memref<2000xf32, #tpu.memory_space<vmem>>, vector<16xf32>,
        tpu.vector_store_idx %arg13[%get3A_281], %get3A_285 {add = true} : memref<1008xf32, #tpu.memory_space<vmem>>[vector<16xi32>], vector<16xf32>,
        %mul3A_286 = arith.constant 25 : i32
        %mul3A_287 = arith.muli %scan3A_105, %mul3A_286 : i32
        %add3A_288 = arith.constant 15 : i32
        %add3A_289 = arith.addi %mul3A_287, %add3A_288 : i32
        %mul3A_290 = arith.constant 16 : i32
        %mul3A_291 = arith.muli %add3A_289, %mul3A_290 : i32
        %get3A_292 = arith.index_cast %mul3A_291 : i32 to index
        %get3A_293 = tpu.vector_load %arg6[%get3A_292] {strides = array<i32>} : memref<2000xi32, #tpu.memory_space<vmem>>, vector<16xi32>,
        %get3A_294 = arith.index_cast %mul3A_291 : i32 to index
        %get3A_295 = tpu.vector_load %arg8[%get3A_294] {strides = array<i32>} : memref<2000xf32, #tpu.memory_space<vmem>>, vector<16xf32>,
        tpu.vector_store_idx %arg12[%get3A_293], %get3A_295 {add = true} : memref<1008xf32, #tpu.memory_space<vmem>>[vector<16xi32>], vector<16xf32>,
        %get3A_296 = arith.index_cast %mul3A_291 : i32 to index
        %get3A_297 = tpu.vector_load %arg9[%get3A_296] {strides = array<i32>} : memref<2000xf32, #tpu.memory_space<vmem>>, vector<16xf32>,
        tpu.vector_store_idx %arg13[%get3A_293], %get3A_297 {add = true} : memref<1008xf32, #tpu.memory_space<vmem>>[vector<16xi32>], vector<16xf32>,
        %mul3A_298 = arith.constant 25 : i32
        %mul3A_299 = arith.muli %scan3A_105, %mul3A_298 : i32
        %add3A_300 = arith.constant 16 : i32
        %add3A_301 = arith.addi %mul3A_299, %add3A_300 : i32
        %mul3A_302 = arith.constant 16 : i32
        %mul3A_303 = arith.muli %add3A_301, %mul3A_302 : i32
        %get3A_304 = arith.index_cast %mul3A_303 : i32 to index
        %get3A_305 = tpu.vector_load %arg6[%get3A_304] {strides = array<i32>} : memref<2000xi32, #tpu.memory_space<vmem>>, vector<16xi32>,
        %get3A_306 = arith.index_cast %mul3A_303 : i32 to index
        %get3A_307 = tpu.vector_load %arg8[%get3A_306] {strides = array<i32>} : memref<2000xf32, #tpu.memory_space<vmem>>, vector<16xf32>,
        tpu.vector_store_idx %arg12[%get3A_305], %get3A_307 {add = true} : memref<1008xf32, #tpu.memory_space<vmem>>[vector<16xi32>], vector<16xf32>,
        %get3A_308 = arith.index_cast %mul3A_303 : i32 to index
        %get3A_309 = tpu.vector_load %arg9[%get3A_308] {strides = array<i32>} : memref<2000xf32, #tpu.memory_space<vmem>>, vector<16xf32>,
        tpu.vector_store_idx %arg13[%get3A_305], %get3A_309 {add = true} : memref<1008xf32, #tpu.memory_space<vmem>>[vector<16xi32>], vector<16xf32>,
        %mul3A_310 = arith.constant 25 : i32
        %mul3A_311 = arith.muli %scan3A_105, %mul3A_310 : i32
        %add3A_312 = arith.constant 17 : i32
        %add3A_313 = arith.addi %mul3A_311, %add3A_312 : i32
        %mul3A_314 = arith.constant 16 : i32
        %mul3A_315 = arith.muli %add3A_313, %mul3A_314 : i32
        %get3A_316 = arith.index_cast %mul3A_315 : i32 to index
        %get3A_317 = tpu.vector_load %arg6[%get3A_316] {strides = array<i32>} : memref<2000xi32, #tpu.memory_space<vmem>>, vector<16xi32>,
        %get3A_318 = arith.index_cast %mul3A_315 : i32 to index
        %get3A_319 = tpu.vector_load %arg8[%get3A_318] {strides = array<i32>} : memref<2000xf32, #tpu.memory_space<vmem>>, vector<16xf32>,
        tpu.vector_store_idx %arg12[%get3A_317], %get3A_319 {add = true} : memref<1008xf32, #tpu.memory_space<vmem>>[vector<16xi32>], vector<16xf32>,
        %get3A_320 = arith.index_cast %mul3A_315 : i32 to index
        %get3A_321 = tpu.vector_load %arg9[%get3A_320] {strides = array<i32>} : memref<2000xf32, #tpu.memory_space<vmem>>, vector<16xf32>,
        tpu.vector_store_idx %arg13[%get3A_317], %get3A_321 {add = true} : memref<1008xf32, #tpu.memory_space<vmem>>[vector<16xi32>], vector<16xf32>,
        %mul3A_322 = arith.constant 25 : i32
        %mul3A_323 = arith.muli %scan3A_105, %mul3A_322 : i32
        %add3A_324 = arith.constant 18 : i32
        %add3A_325 = arith.addi %mul3A_323, %add3A_324 : i32
        %mul3A_326 = arith.constant 16 : i32
        %mul3A_327 = arith.muli %add3A_325, %mul3A_326 : i32
        %get3A_328 = arith.index_cast %mul3A_327 : i32 to index
        %get3A_329 = tpu.vector_load %arg6[%get3A_328] {strides = array<i32>} : memref<2000xi32, #tpu.memory_space<vmem>>, vector<16xi32>,
        %get3A_330 = arith.index_cast %mul3A_327 : i32 to index
        %get3A_331 = tpu.vector_load %arg8[%get3A_330] {strides = array<i32>} : memref<2000xf32, #tpu.memory_space<vmem>>, vector<16xf32>,
        tpu.vector_store_idx %arg12[%get3A_329], %get3A_331 {add = true} : memref<1008xf32, #tpu.memory_space<vmem>>[vector<16xi32>], vector<16xf32>,
        %get3A_332 = arith.index_cast %mul3A_327 : i32 to index
        %get3A_333 = tpu.vector_load %arg9[%get3A_332] {strides = array<i32>} : memref<2000xf32, #tpu.memory_space<vmem>>, vector<16xf32>,
        tpu.vector_store_idx %arg13[%get3A_329], %get3A_333 {add = true} : memref<1008xf32, #tpu.memory_space<vmem>>[vector<16xi32>], vector<16xf32>,
        %mul3A_334 = arith.constant 25 : i32
        %mul3A_335 = arith.muli %scan3A_105, %mul3A_334 : i32
        %add3A_336 = arith.constant 19 : i32
        %add3A_337 = arith.addi %mul3A_335, %add3A_336 : i32
        %mul3A_338 = arith.constant 16 : i32
        %mul3A_339 = arith.muli %add3A_337, %mul3A_338 : i32
        %get3A_340 = arith.index_cast %mul3A_339 : i32 to index
        %get3A_341 = tpu.vector_load %arg6[%get3A_340] {strides = array<i32>} : memref<2000xi32, #tpu.memory_space<vmem>>, vector<16xi32>,
        %get3A_342 = arith.index_cast %mul3A_339 : i32 to index
        %get3A_343 = tpu.vector_load %arg8[%get3A_342] {strides = array<i32>} : memref<2000xf32, #tpu.memory_space<vmem>>, vector<16xf32>,
        tpu.vector_store_idx %arg12[%get3A_341], %get3A_343 {add = true} : memref<1008xf32, #tpu.memory_space<vmem>>[vector<16xi32>], vector<16xf32>,
        %get3A_344 = arith.index_cast %mul3A_339 : i32 to index
        %get3A_345 = tpu.vector_load %arg9[%get3A_344] {strides = array<i32>} : memref<2000xf32, #tpu.memory_space<vmem>>, vector<16xf32>,
        tpu.vector_store_idx %arg13[%get3A_341], %get3A_345 {add = true} : memref<1008xf32, #tpu.memory_space<vmem>>[vector<16xi32>], vector<16xf32>,
        %mul3A_346 = arith.constant 25 : i32
        %mul3A_347 = arith.muli %scan3A_105, %mul3A_346 : i32
        %add3A_348 = arith.constant 20 : i32
        %add3A_349 = arith.addi %mul3A_347, %add3A_348 : i32
        %mul3A_350 = arith.constant 16 : i32
        %mul3A_351 = arith.muli %add3A_349, %mul3A_350 : i32
        %get3A_352 = arith.index_cast %mul3A_351 : i32 to index
        %get3A_353 = tpu.vector_load %arg6[%get3A_352] {strides = array<i32>} : memref<2000xi32, #tpu.memory_space<vmem>>, vector<16xi32>,
        %get3A_354 = arith.index_cast %mul3A_351 : i32 to index
        %get3A_355 = tpu.vector_load %arg8[%get3A_354] {strides = array<i32>} : memref<2000xf32, #tpu.memory_space<vmem>>, vector<16xf32>,
        tpu.vector_store_idx %arg12[%get3A_353], %get3A_355 {add = true} : memref<1008xf32, #tpu.memory_space<vmem>>[vector<16xi32>], vector<16xf32>,
        %get3A_356 = arith.index_cast %mul3A_351 : i32 to index
        %get3A_357 = tpu.vector_load %arg9[%get3A_356] {strides = array<i32>} : memref<2000xf32, #tpu.memory_space<vmem>>, vector<16xf32>,
        tpu.vector_store_idx %arg13[%get3A_353], %get3A_357 {add = true} : memref<1008xf32, #tpu.memory_space<vmem>>[vector<16xi32>], vector<16xf32>,
        %mul3A_358 = arith.constant 25 : i32
        %mul3A_359 = arith.muli %scan3A_105, %mul3A_358 : i32
        %add3A_360 = arith.constant 21 : i32
        %add3A_361 = arith.addi %mul3A_359, %add3A_360 : i32
        %mul3A_362 = arith.constant 16 : i32
        %mul3A_363 = arith.muli %add3A_361, %mul3A_362 : i32
        %get3A_364 = arith.index_cast %mul3A_363 : i32 to index
        %get3A_365 = tpu.vector_load %arg6[%get3A_364] {strides = array<i32>} : memref<2000xi32, #tpu.memory_space<vmem>>, vector<16xi32>,
        %get3A_366 = arith.index_cast %mul3A_363 : i32 to index
        %get3A_367 = tpu.vector_load %arg8[%get3A_366] {strides = array<i32>} : memref<2000xf32, #tpu.memory_space<vmem>>, vector<16xf32>,
        tpu.vector_store_idx %arg12[%get3A_365], %get3A_367 {add = true} : memref<1008xf32, #tpu.memory_space<vmem>>[vector<16xi32>], vector<16xf32>,
        %get3A_368 = arith.index_cast %mul3A_363 : i32 to index
        %get3A_369 = tpu.vector_load %arg9[%get3A_368] {strides = array<i32>} : memref<2000xf32, #tpu.memory_space<vmem>>, vector<16xf32>,
        tpu.vector_store_idx %arg13[%get3A_365], %get3A_369 {add = true} : memref<1008xf32, #tpu.memory_space<vmem>>[vector<16xi32>], vector<16xf32>,
        %mul3A_370 = arith.constant 25 : i32
        %mul3A_371 = arith.muli %scan3A_105, %mul3A_370 : i32
        %add3A_372 = arith.constant 22 : i32
        %add3A_373 = arith.addi %mul3A_371, %add3A_372 : i32
        %mul3A_374 = arith.constant 16 : i32
        %mul3A_375 = arith.muli %add3A_373, %mul3A_374 : i32
        %get3A_376 = arith.index_cast %mul3A_375 : i32 to index
        %get3A_377 = tpu.vector_load %arg6[%get3A_376] {strides = array<i32>} : memref<2000xi32, #tpu.memory_space<vmem>>, vector<16xi32>,
        %get3A_378 = arith.index_cast %mul3A_375 : i32 to index
        %get3A_379 = tpu.vector_load %arg8[%get3A_378] {strides = array<i32>} : memref<2000xf32, #tpu.memory_space<vmem>>, vector<16xf32>,
        tpu.vector_store_idx %arg12[%get3A_377], %get3A_379 {add = true} : memref<1008xf32, #tpu.memory_space<vmem>>[vector<16xi32>], vector<16xf32>,
        %get3A_380 = arith.index_cast %mul3A_375 : i32 to index
        %get3A_381 = tpu.vector_load %arg9[%get3A_380] {strides = array<i32>} : memref<2000xf32, #tpu.memory_space<vmem>>, vector<16xf32>,
        tpu.vector_store_idx %arg13[%get3A_377], %get3A_381 {add = true} : memref<1008xf32, #tpu.memory_space<vmem>>[vector<16xi32>], vector<16xf32>,
        %mul3A_382 = arith.constant 25 : i32
        %mul3A_383 = arith.muli %scan3A_105, %mul3A_382 : i32
        %add3A_384 = arith.constant 23 : i32
        %add3A_385 = arith.addi %mul3A_383, %add3A_384 : i32
        %mul3A_386 = arith.constant 16 : i32
        %mul3A_387 = arith.muli %add3A_385, %mul3A_386 : i32
        %get3A_388 = arith.index_cast %mul3A_387 : i32 to index
        %get3A_389 = tpu.vector_load %arg6[%get3A_388] {strides = array<i32>} : memref<2000xi32, #tpu.memory_space<vmem>>, vector<16xi32>,
        %get3A_390 = arith.index_cast %mul3A_387 : i32 to index
        %get3A_391 = tpu.vector_load %arg8[%get3A_390] {strides = array<i32>} : memref<2000xf32, #tpu.memory_space<vmem>>, vector<16xf32>,
        tpu.vector_store_idx %arg12[%get3A_389], %get3A_391 {add = true} : memref<1008xf32, #tpu.memory_space<vmem>>[vector<16xi32>], vector<16xf32>,
        %get3A_392 = arith.index_cast %mul3A_387 : i32 to index
        %get3A_393 = tpu.vector_load %arg9[%get3A_392] {strides = array<i32>} : memref<2000xf32, #tpu.memory_space<vmem>>, vector<16xf32>,
        tpu.vector_store_idx %arg13[%get3A_389], %get3A_393 {add = true} : memref<1008xf32, #tpu.memory_space<vmem>>[vector<16xi32>], vector<16xf32>,
        %mul3A_394 = arith.constant 25 : i32
        %mul3A_395 = arith.muli %scan3A_105, %mul3A_394 : i32
        %add3A_396 = arith.constant 24 : i32
        %add3A_397 = arith.addi %mul3A_395, %add3A_396 : i32
        %mul3A_398 = arith.constant 16 : i32
        %mul3A_399 = arith.muli %add3A_397, %mul3A_398 : i32
        %get3A_400 = arith.index_cast %mul3A_399 : i32 to index
        %get3A_401 = tpu.vector_load %arg6[%get3A_400] {strides = array<i32>} : memref<2000xi32, #tpu.memory_space<vmem>>, vector<16xi32>,
        %get3A_402 = arith.index_cast %mul3A_399 : i32 to index
        %get3A_403 = tpu.vector_load %arg8[%get3A_402] {strides = array<i32>} : memref<2000xf32, #tpu.memory_space<vmem>>, vector<16xf32>,
        tpu.vector_store_idx %arg12[%get3A_401], %get3A_403 {add = true} : memref<1008xf32, #tpu.memory_space<vmem>>[vector<16xi32>], vector<16xf32>,
        %get3A_404 = arith.index_cast %mul3A_399 : i32 to index
        %get3A_405 = tpu.vector_load %arg9[%get3A_404] {strides = array<i32>} : memref<2000xf32, #tpu.memory_space<vmem>>, vector<16xf32>,
        tpu.vector_store_idx %arg13[%get3A_401], %get3A_405 {add = true} : memref<1008xf32, #tpu.memory_space<vmem>>[vector<16xi32>], vector<16xf32>,
        %scan3A_406 = arith.constant 0 : i32
        scf.yield %scan3A_406 : i32
      }
      %scan3A_80 = arith.constant 5 : i32
      %add3A_81 = arith.constant 2 : i32
      %add3A_82 = arith.addi %mul3A_52, %add3A_81 : i32
      %lt3A = arith.constant 50 : i32
      %lt3A_83 = arith.cmpi slt, %add3A_82, %lt3A : i32
      %convert_element_type3A = arith.extui %lt3A_83 : i1 to i32
      %cond3A = arith.constant 0 : i32
      %cond3A_84 = arith.cmpi ne, %convert_element_type3A, %cond3A : i32
      scf.if %cond3A_84 {
        %add3A_105 = arith.constant 2 : i32
        %add3A_106 = arith.addi %mul3A_52, %add3A_105 : i32
        %mul3A_107 = arith.constant 2000 : i32
        %mul3A_108 = arith.muli %add3A_106, %mul3A_107 : i32
        %dma_start3A_109 = tpu.memref_slice %arg3[%mul3A_108] : memref<128000xi32, #tpu.memory_space<hbm>> -> memref<2000xi32, #tpu.memory_space<hbm>>
        %dma_start3A_110 = tpu.memref_slice %arg3[%mul3A_108] : memref<128000xi32, #tpu.memory_space<hbm>> -> memref<2000xi32, #tpu.memory_space<hbm>>
        tpu.enqueue_dma source(%dma_start3A_110 : memref<2000xi32, #tpu.memory_space<hbm>>) target(%arg6 : memref<2000xi32, #tpu.memory_space<vmem>>) target_semaphore(%arg15 : memref<!tpu.dma_semaphore, #tpu.memory_space<semaphore_mem>>)
        %add3A_111 = arith.addi %mul3A_10, %mul3A_108 : i32
        %dma_start3A_112 = tpu.memref_slice %arg2[%add3A_111] : memref<6400000xf32, #tpu.memory_space<hbm>> -> memref<2000xf32, #tpu.memory_space<hbm>>
        %dma_start3A_113 = tpu.memref_slice %arg2[%add3A_111] : memref<6400000xf32, #tpu.memory_space<hbm>> -> memref<2000xf32, #tpu.memory_space<hbm>>
        tpu.enqueue_dma source(%dma_start3A_113 : memref<2000xf32, #tpu.memory_space<hbm>>) target(%arg8 : memref<2000xf32, #tpu.memory_space<vmem>>) target_semaphore(%arg16 : memref<!tpu.dma_semaphore, #tpu.memory_space<semaphore_mem>>)
        %add3A_114 = arith.addi %mul3A_14, %mul3A_108 : i32
        %dma_start3A_115 = tpu.memref_slice %arg2[%add3A_114] : memref<6400000xf32, #tpu.memory_space<hbm>> -> memref<2000xf32, #tpu.memory_space<hbm>>
        %dma_start3A_116 = tpu.memref_slice %arg2[%add3A_114] : memref<6400000xf32, #tpu.memory_space<hbm>> -> memref<2000xf32, #tpu.memory_space<hbm>>
        tpu.enqueue_dma source(%dma_start3A_116 : memref<2000xf32, #tpu.memory_space<hbm>>) target(%arg9 : memref<2000xf32, #tpu.memory_space<vmem>>) target_semaphore(%arg17 : memref<!tpu.dma_semaphore, #tpu.memory_space<semaphore_mem>>)
      } else {
      }
      %add3A_85 = arith.constant 1 : i32
      %add3A_86 = arith.addi %mul3A_52, %add3A_85 : i32
      %mul3A_87 = arith.constant 2000 : i32
      %mul3A_88 = arith.muli %add3A_86, %mul3A_87 : i32
      %dma_wait3A_89 = tpu.memref_slice %arg3[%mul3A_88] : memref<128000xi32, #tpu.memory_space<hbm>> -> memref<2000xi32, #tpu.memory_space<hbm>>
      %dma_wait3A_90 = tpu.memref_slice %arg3[%mul3A_88] : memref<128000xi32, #tpu.memory_space<hbm>> -> memref<2000xi32, #tpu.memory_space<hbm>>
      tpu.wait_dma2 semaphore(%arg18 : memref<!tpu.dma_semaphore, #tpu.memory_space<semaphore_mem>>) src(%dma_wait3A_90 : memref<2000xi32, #tpu.memory_space<hbm>>) dst(%arg7 : memref<2000xi32, #tpu.memory_space<vmem>>)
      %add3A_91 = arith.addi %mul3A_10, %mul3A_88 : i32
      %dma_wait3A_92 = tpu.memref_slice %arg2[%add3A_91] : memref<6400000xf32, #tpu.memory_space<hbm>> -> memref<2000xf32, #tpu.memory_space<hbm>>
      %dma_wait3A_93 = tpu.memref_slice %arg2[%add3A_91] : memref<6400000xf32, #tpu.memory_space<hbm>> -> memref<2000xf32, #tpu.memory_space<hbm>>
      tpu.wait_dma2 semaphore(%arg19 : memref<!tpu.dma_semaphore, #tpu.memory_space<semaphore_mem>>) src(%dma_wait3A_93 : memref<2000xf32, #tpu.memory_space<hbm>>) dst(%arg10 : memref<2000xf32, #tpu.memory_space<vmem>>)
      %add3A_94 = arith.addi %mul3A_14, %mul3A_88 : i32
      %dma_wait3A_95 = tpu.memref_slice %arg2[%add3A_94] : memref<6400000xf32, #tpu.memory_space<hbm>> -> memref<2000xf32, #tpu.memory_space<hbm>>
      %dma_wait3A_96 = tpu.memref_slice %arg2[%add3A_94] : memref<6400000xf32, #tpu.memory_space<hbm>> -> memref<2000xf32, #tpu.memory_space<hbm>>
      tpu.wait_dma2 semaphore(%arg20 : memref<!tpu.dma_semaphore, #tpu.memory_space<semaphore_mem>>) src(%dma_wait3A_96 : memref<2000xf32, #tpu.memory_space<hbm>>) dst(%arg11 : memref<2000xf32, #tpu.memory_space<vmem>>)
      %scan3A_97 = arith.constant 0 : i32
      %scan3A_98 = arith.constant 0 : i32
      %scan3A_99 = arith.constant 5 : i32
      %scan3A_100 = arith.addi %scan3A_98, %scan3A_99 : i32
      %scan3A_101 = arith.constant 1 : i32
      %scan3A_102 = scf.for %scan3A_105 = %scan3A_98 to %scan3A_100 step %scan3A_101 iter_args(%scan3A_106 = %scan3A_97) -> (i32)  : i32 {
        %mul3A_107 = arith.constant 25 : i32
        %mul3A_108 = arith.muli %scan3A_105, %mul3A_107 : i32
        %add3A_109 = arith.constant 0 : i32
        %add3A_110 = arith.addi %mul3A_108, %add3A_109 : i32
        %mul3A_111 = arith.constant 16 : i32
        %mul3A_112 = arith.muli %add3A_110, %mul3A_111 : i32
        %get3A = arith.index_cast %mul3A_112 : i32 to index
        %get3A_113 = tpu.vector_load %arg7[%get3A] {strides = array<i32>} : memref<2000xi32, #tpu.memory_space<vmem>>, vector<16xi32>,
        %get3A_114 = arith.index_cast %mul3A_112 : i32 to index
        %get3A_115 = tpu.vector_load %arg10[%get3A_114] {strides = array<i32>} : memref<2000xf32, #tpu.memory_space<vmem>>, vector<16xf32>,
        tpu.vector_store_idx %arg12[%get3A_113], %get3A_115 {add = true} : memref<1008xf32, #tpu.memory_space<vmem>>[vector<16xi32>], vector<16xf32>,
        %get3A_116 = arith.index_cast %mul3A_112 : i32 to index
        %get3A_117 = tpu.vector_load %arg11[%get3A_116] {strides = array<i32>} : memref<2000xf32, #tpu.memory_space<vmem>>, vector<16xf32>,
        tpu.vector_store_idx %arg13[%get3A_113], %get3A_117 {add = true} : memref<1008xf32, #tpu.memory_space<vmem>>[vector<16xi32>], vector<16xf32>,
        %mul3A_118 = arith.constant 25 : i32
        %mul3A_119 = arith.muli %scan3A_105, %mul3A_118 : i32
        %add3A_120 = arith.constant 1 : i32
        %add3A_121 = arith.addi %mul3A_119, %add3A_120 : i32
        %mul3A_122 = arith.constant 16 : i32
        %mul3A_123 = arith.muli %add3A_121, %mul3A_122 : i32
        %get3A_124 = arith.index_cast %mul3A_123 : i32 to index
        %get3A_125 = tpu.vector_load %arg7[%get3A_124] {strides = array<i32>} : memref<2000xi32, #tpu.memory_space<vmem>>, vector<16xi32>,
        %get3A_126 = arith.index_cast %mul3A_123 : i32 to index
        %get3A_127 = tpu.vector_load %arg10[%get3A_126] {strides = array<i32>} : memref<2000xf32, #tpu.memory_space<vmem>>, vector<16xf32>,
        tpu.vector_store_idx %arg12[%get3A_125], %get3A_127 {add = true} : memref<1008xf32, #tpu.memory_space<vmem>>[vector<16xi32>], vector<16xf32>,
        %get3A_128 = arith.index_cast %mul3A_123 : i32 to index
        %get3A_129 = tpu.vector_load %arg11[%get3A_128] {strides = array<i32>} : memref<2000xf32, #tpu.memory_space<vmem>>, vector<16xf32>,
        tpu.vector_store_idx %arg13[%get3A_125], %get3A_129 {add = true} : memref<1008xf32, #tpu.memory_space<vmem>>[vector<16xi32>], vector<16xf32>,
        %mul3A_130 = arith.constant 25 : i32
        %mul3A_131 = arith.muli %scan3A_105, %mul3A_130 : i32
        %add3A_132 = arith.constant 2 : i32
        %add3A_133 = arith.addi %mul3A_131, %add3A_132 : i32
        %mul3A_134 = arith.constant 16 : i32
        %mul3A_135 = arith.muli %add3A_133, %mul3A_134 : i32
        %get3A_136 = arith.index_cast %mul3A_135 : i32 to index
        %get3A_137 = tpu.vector_load %arg7[%get3A_136] {strides = array<i32>} : memref<2000xi32, #tpu.memory_space<vmem>>, vector<16xi32>,
        %get3A_138 = arith.index_cast %mul3A_135 : i32 to index
        %get3A_139 = tpu.vector_load %arg10[%get3A_138] {strides = array<i32>} : memref<2000xf32, #tpu.memory_space<vmem>>, vector<16xf32>,
        tpu.vector_store_idx %arg12[%get3A_137], %get3A_139 {add = true} : memref<1008xf32, #tpu.memory_space<vmem>>[vector<16xi32>], vector<16xf32>,
        %get3A_140 = arith.index_cast %mul3A_135 : i32 to index
        %get3A_141 = tpu.vector_load %arg11[%get3A_140] {strides = array<i32>} : memref<2000xf32, #tpu.memory_space<vmem>>, vector<16xf32>,
        tpu.vector_store_idx %arg13[%get3A_137], %get3A_141 {add = true} : memref<1008xf32, #tpu.memory_space<vmem>>[vector<16xi32>], vector<16xf32>,
        %mul3A_142 = arith.constant 25 : i32
        %mul3A_143 = arith.muli %scan3A_105, %mul3A_142 : i32
        %add3A_144 = arith.constant 3 : i32
        %add3A_145 = arith.addi %mul3A_143, %add3A_144 : i32
        %mul3A_146 = arith.constant 16 : i32
        %mul3A_147 = arith.muli %add3A_145, %mul3A_146 : i32
        %get3A_148 = arith.index_cast %mul3A_147 : i32 to index
        %get3A_149 = tpu.vector_load %arg7[%get3A_148] {strides = array<i32>} : memref<2000xi32, #tpu.memory_space<vmem>>, vector<16xi32>,
        %get3A_150 = arith.index_cast %mul3A_147 : i32 to index
        %get3A_151 = tpu.vector_load %arg10[%get3A_150] {strides = array<i32>} : memref<2000xf32, #tpu.memory_space<vmem>>, vector<16xf32>,
        tpu.vector_store_idx %arg12[%get3A_149], %get3A_151 {add = true} : memref<1008xf32, #tpu.memory_space<vmem>>[vector<16xi32>], vector<16xf32>,
        %get3A_152 = arith.index_cast %mul3A_147 : i32 to index
        %get3A_153 = tpu.vector_load %arg11[%get3A_152] {strides = array<i32>} : memref<2000xf32, #tpu.memory_space<vmem>>, vector<16xf32>,
        tpu.vector_store_idx %arg13[%get3A_149], %get3A_153 {add = true} : memref<1008xf32, #tpu.memory_space<vmem>>[vector<16xi32>], vector<16xf32>,
        %mul3A_154 = arith.constant 25 : i32
        %mul3A_155 = arith.muli %scan3A_105, %mul3A_154 : i32
        %add3A_156 = arith.constant 4 : i32
        %add3A_157 = arith.addi %mul3A_155, %add3A_156 : i32
        %mul3A_158 = arith.constant 16 : i32
        %mul3A_159 = arith.muli %add3A_157, %mul3A_158 : i32
        %get3A_160 = arith.index_cast %mul3A_159 : i32 to index
        %get3A_161 = tpu.vector_load %arg7[%get3A_160] {strides = array<i32>} : memref<2000xi32, #tpu.memory_space<vmem>>, vector<16xi32>,
        %get3A_162 = arith.index_cast %mul3A_159 : i32 to index
        %get3A_163 = tpu.vector_load %arg10[%get3A_162] {strides = array<i32>} : memref<2000xf32, #tpu.memory_space<vmem>>, vector<16xf32>,
        tpu.vector_store_idx %arg12[%get3A_161], %get3A_163 {add = true} : memref<1008xf32, #tpu.memory_space<vmem>>[vector<16xi32>], vector<16xf32>,
        %get3A_164 = arith.index_cast %mul3A_159 : i32 to index
        %get3A_165 = tpu.vector_load %arg11[%get3A_164] {strides = array<i32>} : memref<2000xf32, #tpu.memory_space<vmem>>, vector<16xf32>,
        tpu.vector_store_idx %arg13[%get3A_161], %get3A_165 {add = true} : memref<1008xf32, #tpu.memory_space<vmem>>[vector<16xi32>], vector<16xf32>,
        %mul3A_166 = arith.constant 25 : i32
        %mul3A_167 = arith.muli %scan3A_105, %mul3A_166 : i32
        %add3A_168 = arith.constant 5 : i32
        %add3A_169 = arith.addi %mul3A_167, %add3A_168 : i32
        %mul3A_170 = arith.constant 16 : i32
        %mul3A_171 = arith.muli %add3A_169, %mul3A_170 : i32
        %get3A_172 = arith.index_cast %mul3A_171 : i32 to index
        %get3A_173 = tpu.vector_load %arg7[%get3A_172] {strides = array<i32>} : memref<2000xi32, #tpu.memory_space<vmem>>, vector<16xi32>,
        %get3A_174 = arith.index_cast %mul3A_171 : i32 to index
        %get3A_175 = tpu.vector_load %arg10[%get3A_174] {strides = array<i32>} : memref<2000xf32, #tpu.memory_space<vmem>>, vector<16xf32>,
        tpu.vector_store_idx %arg12[%get3A_173], %get3A_175 {add = true} : memref<1008xf32, #tpu.memory_space<vmem>>[vector<16xi32>], vector<16xf32>,
        %get3A_176 = arith.index_cast %mul3A_171 : i32 to index
        %get3A_177 = tpu.vector_load %arg11[%get3A_176] {strides = array<i32>} : memref<2000xf32, #tpu.memory_space<vmem>>, vector<16xf32>,
        tpu.vector_store_idx %arg13[%get3A_173], %get3A_177 {add = true} : memref<1008xf32, #tpu.memory_space<vmem>>[vector<16xi32>], vector<16xf32>,
        %mul3A_178 = arith.constant 25 : i32
        %mul3A_179 = arith.muli %scan3A_105, %mul3A_178 : i32
        %add3A_180 = arith.constant 6 : i32
        %add3A_181 = arith.addi %mul3A_179, %add3A_180 : i32
        %mul3A_182 = arith.constant 16 : i32
        %mul3A_183 = arith.muli %add3A_181, %mul3A_182 : i32
        %get3A_184 = arith.index_cast %mul3A_183 : i32 to index
        %get3A_185 = tpu.vector_load %arg7[%get3A_184] {strides = array<i32>} : memref<2000xi32, #tpu.memory_space<vmem>>, vector<16xi32>,
        %get3A_186 = arith.index_cast %mul3A_183 : i32 to index
        %get3A_187 = tpu.vector_load %arg10[%get3A_186] {strides = array<i32>} : memref<2000xf32, #tpu.memory_space<vmem>>, vector<16xf32>,
        tpu.vector_store_idx %arg12[%get3A_185], %get3A_187 {add = true} : memref<1008xf32, #tpu.memory_space<vmem>>[vector<16xi32>], vector<16xf32>,
        %get3A_188 = arith.index_cast %mul3A_183 : i32 to index
        %get3A_189 = tpu.vector_load %arg11[%get3A_188] {strides = array<i32>} : memref<2000xf32, #tpu.memory_space<vmem>>, vector<16xf32>,
        tpu.vector_store_idx %arg13[%get3A_185], %get3A_189 {add = true} : memref<1008xf32, #tpu.memory_space<vmem>>[vector<16xi32>], vector<16xf32>,
        %mul3A_190 = arith.constant 25 : i32
        %mul3A_191 = arith.muli %scan3A_105, %mul3A_190 : i32
        %add3A_192 = arith.constant 7 : i32
        %add3A_193 = arith.addi %mul3A_191, %add3A_192 : i32
        %mul3A_194 = arith.constant 16 : i32
        %mul3A_195 = arith.muli %add3A_193, %mul3A_194 : i32
        %get3A_196 = arith.index_cast %mul3A_195 : i32 to index
        %get3A_197 = tpu.vector_load %arg7[%get3A_196] {strides = array<i32>} : memref<2000xi32, #tpu.memory_space<vmem>>, vector<16xi32>,
        %get3A_198 = arith.index_cast %mul3A_195 : i32 to index
        %get3A_199 = tpu.vector_load %arg10[%get3A_198] {strides = array<i32>} : memref<2000xf32, #tpu.memory_space<vmem>>, vector<16xf32>,
        tpu.vector_store_idx %arg12[%get3A_197], %get3A_199 {add = true} : memref<1008xf32, #tpu.memory_space<vmem>>[vector<16xi32>], vector<16xf32>,
        %get3A_200 = arith.index_cast %mul3A_195 : i32 to index
        %get3A_201 = tpu.vector_load %arg11[%get3A_200] {strides = array<i32>} : memref<2000xf32, #tpu.memory_space<vmem>>, vector<16xf32>,
        tpu.vector_store_idx %arg13[%get3A_197], %get3A_201 {add = true} : memref<1008xf32, #tpu.memory_space<vmem>>[vector<16xi32>], vector<16xf32>,
        %mul3A_202 = arith.constant 25 : i32
        %mul3A_203 = arith.muli %scan3A_105, %mul3A_202 : i32
        %add3A_204 = arith.constant 8 : i32
        %add3A_205 = arith.addi %mul3A_203, %add3A_204 : i32
        %mul3A_206 = arith.constant 16 : i32
        %mul3A_207 = arith.muli %add3A_205, %mul3A_206 : i32
        %get3A_208 = arith.index_cast %mul3A_207 : i32 to index
        %get3A_209 = tpu.vector_load %arg7[%get3A_208] {strides = array<i32>} : memref<2000xi32, #tpu.memory_space<vmem>>, vector<16xi32>,
        %get3A_210 = arith.index_cast %mul3A_207 : i32 to index
        %get3A_211 = tpu.vector_load %arg10[%get3A_210] {strides = array<i32>} : memref<2000xf32, #tpu.memory_space<vmem>>, vector<16xf32>,
        tpu.vector_store_idx %arg12[%get3A_209], %get3A_211 {add = true} : memref<1008xf32, #tpu.memory_space<vmem>>[vector<16xi32>], vector<16xf32>,
        %get3A_212 = arith.index_cast %mul3A_207 : i32 to index
        %get3A_213 = tpu.vector_load %arg11[%get3A_212] {strides = array<i32>} : memref<2000xf32, #tpu.memory_space<vmem>>, vector<16xf32>,
        tpu.vector_store_idx %arg13[%get3A_209], %get3A_213 {add = true} : memref<1008xf32, #tpu.memory_space<vmem>>[vector<16xi32>], vector<16xf32>,
        %mul3A_214 = arith.constant 25 : i32
        %mul3A_215 = arith.muli %scan3A_105, %mul3A_214 : i32
        %add3A_216 = arith.constant 9 : i32
        %add3A_217 = arith.addi %mul3A_215, %add3A_216 : i32
        %mul3A_218 = arith.constant 16 : i32
        %mul3A_219 = arith.muli %add3A_217, %mul3A_218 : i32
        %get3A_220 = arith.index_cast %mul3A_219 : i32 to index
        %get3A_221 = tpu.vector_load %arg7[%get3A_220] {strides = array<i32>} : memref<2000xi32, #tpu.memory_space<vmem>>, vector<16xi32>,
        %get3A_222 = arith.index_cast %mul3A_219 : i32 to index
        %get3A_223 = tpu.vector_load %arg10[%get3A_222] {strides = array<i32>} : memref<2000xf32, #tpu.memory_space<vmem>>, vector<16xf32>,
        tpu.vector_store_idx %arg12[%get3A_221], %get3A_223 {add = true} : memref<1008xf32, #tpu.memory_space<vmem>>[vector<16xi32>], vector<16xf32>,
        %get3A_224 = arith.index_cast %mul3A_219 : i32 to index
        %get3A_225 = tpu.vector_load %arg11[%get3A_224] {strides = array<i32>} : memref<2000xf32, #tpu.memory_space<vmem>>, vector<16xf32>,
        tpu.vector_store_idx %arg13[%get3A_221], %get3A_225 {add = true} : memref<1008xf32, #tpu.memory_space<vmem>>[vector<16xi32>], vector<16xf32>,
        %mul3A_226 = arith.constant 25 : i32
        %mul3A_227 = arith.muli %scan3A_105, %mul3A_226 : i32
        %add3A_228 = arith.constant 10 : i32
        %add3A_229 = arith.addi %mul3A_227, %add3A_228 : i32
        %mul3A_230 = arith.constant 16 : i32
        %mul3A_231 = arith.muli %add3A_229, %mul3A_230 : i32
        %get3A_232 = arith.index_cast %mul3A_231 : i32 to index
        %get3A_233 = tpu.vector_load %arg7[%get3A_232] {strides = array<i32>} : memref<2000xi32, #tpu.memory_space<vmem>>, vector<16xi32>,
        %get3A_234 = arith.index_cast %mul3A_231 : i32 to index
        %get3A_235 = tpu.vector_load %arg10[%get3A_234] {strides = array<i32>} : memref<2000xf32, #tpu.memory_space<vmem>>, vector<16xf32>,
        tpu.vector_store_idx %arg12[%get3A_233], %get3A_235 {add = true} : memref<1008xf32, #tpu.memory_space<vmem>>[vector<16xi32>], vector<16xf32>,
        %get3A_236 = arith.index_cast %mul3A_231 : i32 to index
        %get3A_237 = tpu.vector_load %arg11[%get3A_236] {strides = array<i32>} : memref<2000xf32, #tpu.memory_space<vmem>>, vector<16xf32>,
        tpu.vector_store_idx %arg13[%get3A_233], %get3A_237 {add = true} : memref<1008xf32, #tpu.memory_space<vmem>>[vector<16xi32>], vector<16xf32>,
        %mul3A_238 = arith.constant 25 : i32
        %mul3A_239 = arith.muli %scan3A_105, %mul3A_238 : i32
        %add3A_240 = arith.constant 11 : i32
        %add3A_241 = arith.addi %mul3A_239, %add3A_240 : i32
        %mul3A_242 = arith.constant 16 : i32
        %mul3A_243 = arith.muli %add3A_241, %mul3A_242 : i32
        %get3A_244 = arith.index_cast %mul3A_243 : i32 to index
        %get3A_245 = tpu.vector_load %arg7[%get3A_244] {strides = array<i32>} : memref<2000xi32, #tpu.memory_space<vmem>>, vector<16xi32>,
        %get3A_246 = arith.index_cast %mul3A_243 : i32 to index
        %get3A_247 = tpu.vector_load %arg10[%get3A_246] {strides = array<i32>} : memref<2000xf32, #tpu.memory_space<vmem>>, vector<16xf32>,
        tpu.vector_store_idx %arg12[%get3A_245], %get3A_247 {add = true} : memref<1008xf32, #tpu.memory_space<vmem>>[vector<16xi32>], vector<16xf32>,
        %get3A_248 = arith.index_cast %mul3A_243 : i32 to index
        %get3A_249 = tpu.vector_load %arg11[%get3A_248] {strides = array<i32>} : memref<2000xf32, #tpu.memory_space<vmem>>, vector<16xf32>,
        tpu.vector_store_idx %arg13[%get3A_245], %get3A_249 {add = true} : memref<1008xf32, #tpu.memory_space<vmem>>[vector<16xi32>], vector<16xf32>,
        %mul3A_250 = arith.constant 25 : i32
        %mul3A_251 = arith.muli %scan3A_105, %mul3A_250 : i32
        %add3A_252 = arith.constant 12 : i32
        %add3A_253 = arith.addi %mul3A_251, %add3A_252 : i32
        %mul3A_254 = arith.constant 16 : i32
        %mul3A_255 = arith.muli %add3A_253, %mul3A_254 : i32
        %get3A_256 = arith.index_cast %mul3A_255 : i32 to index
        %get3A_257 = tpu.vector_load %arg7[%get3A_256] {strides = array<i32>} : memref<2000xi32, #tpu.memory_space<vmem>>, vector<16xi32>,
        %get3A_258 = arith.index_cast %mul3A_255 : i32 to index
        %get3A_259 = tpu.vector_load %arg10[%get3A_258] {strides = array<i32>} : memref<2000xf32, #tpu.memory_space<vmem>>, vector<16xf32>,
        tpu.vector_store_idx %arg12[%get3A_257], %get3A_259 {add = true} : memref<1008xf32, #tpu.memory_space<vmem>>[vector<16xi32>], vector<16xf32>,
        %get3A_260 = arith.index_cast %mul3A_255 : i32 to index
        %get3A_261 = tpu.vector_load %arg11[%get3A_260] {strides = array<i32>} : memref<2000xf32, #tpu.memory_space<vmem>>, vector<16xf32>,
        tpu.vector_store_idx %arg13[%get3A_257], %get3A_261 {add = true} : memref<1008xf32, #tpu.memory_space<vmem>>[vector<16xi32>], vector<16xf32>,
        %mul3A_262 = arith.constant 25 : i32
        %mul3A_263 = arith.muli %scan3A_105, %mul3A_262 : i32
        %add3A_264 = arith.constant 13 : i32
        %add3A_265 = arith.addi %mul3A_263, %add3A_264 : i32
        %mul3A_266 = arith.constant 16 : i32
        %mul3A_267 = arith.muli %add3A_265, %mul3A_266 : i32
        %get3A_268 = arith.index_cast %mul3A_267 : i32 to index
        %get3A_269 = tpu.vector_load %arg7[%get3A_268] {strides = array<i32>} : memref<2000xi32, #tpu.memory_space<vmem>>, vector<16xi32>,
        %get3A_270 = arith.index_cast %mul3A_267 : i32 to index
        %get3A_271 = tpu.vector_load %arg10[%get3A_270] {strides = array<i32>} : memref<2000xf32, #tpu.memory_space<vmem>>, vector<16xf32>,
        tpu.vector_store_idx %arg12[%get3A_269], %get3A_271 {add = true} : memref<1008xf32, #tpu.memory_space<vmem>>[vector<16xi32>], vector<16xf32>,
        %get3A_272 = arith.index_cast %mul3A_267 : i32 to index
        %get3A_273 = tpu.vector_load %arg11[%get3A_272] {strides = array<i32>} : memref<2000xf32, #tpu.memory_space<vmem>>, vector<16xf32>,
        tpu.vector_store_idx %arg13[%get3A_269], %get3A_273 {add = true} : memref<1008xf32, #tpu.memory_space<vmem>>[vector<16xi32>], vector<16xf32>,
        %mul3A_274 = arith.constant 25 : i32
        %mul3A_275 = arith.muli %scan3A_105, %mul3A_274 : i32
        %add3A_276 = arith.constant 14 : i32
        %add3A_277 = arith.addi %mul3A_275, %add3A_276 : i32
        %mul3A_278 = arith.constant 16 : i32
        %mul3A_279 = arith.muli %add3A_277, %mul3A_278 : i32
        %get3A_280 = arith.index_cast %mul3A_279 : i32 to index
        %get3A_281 = tpu.vector_load %arg7[%get3A_280] {strides = array<i32>} : memref<2000xi32, #tpu.memory_space<vmem>>, vector<16xi32>,
        %get3A_282 = arith.index_cast %mul3A_279 : i32 to index
        %get3A_283 = tpu.vector_load %arg10[%get3A_282] {strides = array<i32>} : memref<2000xf32, #tpu.memory_space<vmem>>, vector<16xf32>,
        tpu.vector_store_idx %arg12[%get3A_281], %get3A_283 {add = true} : memref<1008xf32, #tpu.memory_space<vmem>>[vector<16xi32>], vector<16xf32>,
        %get3A_284 = arith.index_cast %mul3A_279 : i32 to index
        %get3A_285 = tpu.vector_load %arg11[%get3A_284] {strides = array<i32>} : memref<2000xf32, #tpu.memory_space<vmem>>, vector<16xf32>,
        tpu.vector_store_idx %arg13[%get3A_281], %get3A_285 {add = true} : memref<1008xf32, #tpu.memory_space<vmem>>[vector<16xi32>], vector<16xf32>,
        %mul3A_286 = arith.constant 25 : i32
        %mul3A_287 = arith.muli %scan3A_105, %mul3A_286 : i32
        %add3A_288 = arith.constant 15 : i32
        %add3A_289 = arith.addi %mul3A_287, %add3A_288 : i32
        %mul3A_290 = arith.constant 16 : i32
        %mul3A_291 = arith.muli %add3A_289, %mul3A_290 : i32
        %get3A_292 = arith.index_cast %mul3A_291 : i32 to index
        %get3A_293 = tpu.vector_load %arg7[%get3A_292] {strides = array<i32>} : memref<2000xi32, #tpu.memory_space<vmem>>, vector<16xi32>,
        %get3A_294 = arith.index_cast %mul3A_291 : i32 to index
        %get3A_295 = tpu.vector_load %arg10[%get3A_294] {strides = array<i32>} : memref<2000xf32, #tpu.memory_space<vmem>>, vector<16xf32>,
        tpu.vector_store_idx %arg12[%get3A_293], %get3A_295 {add = true} : memref<1008xf32, #tpu.memory_space<vmem>>[vector<16xi32>], vector<16xf32>,
        %get3A_296 = arith.index_cast %mul3A_291 : i32 to index
        %get3A_297 = tpu.vector_load %arg11[%get3A_296] {strides = array<i32>} : memref<2000xf32, #tpu.memory_space<vmem>>, vector<16xf32>,
        tpu.vector_store_idx %arg13[%get3A_293], %get3A_297 {add = true} : memref<1008xf32, #tpu.memory_space<vmem>>[vector<16xi32>], vector<16xf32>,
        %mul3A_298 = arith.constant 25 : i32
        %mul3A_299 = arith.muli %scan3A_105, %mul3A_298 : i32
        %add3A_300 = arith.constant 16 : i32
        %add3A_301 = arith.addi %mul3A_299, %add3A_300 : i32
        %mul3A_302 = arith.constant 16 : i32
        %mul3A_303 = arith.muli %add3A_301, %mul3A_302 : i32
        %get3A_304 = arith.index_cast %mul3A_303 : i32 to index
        %get3A_305 = tpu.vector_load %arg7[%get3A_304] {strides = array<i32>} : memref<2000xi32, #tpu.memory_space<vmem>>, vector<16xi32>,
        %get3A_306 = arith.index_cast %mul3A_303 : i32 to index
        %get3A_307 = tpu.vector_load %arg10[%get3A_306] {strides = array<i32>} : memref<2000xf32, #tpu.memory_space<vmem>>, vector<16xf32>,
        tpu.vector_store_idx %arg12[%get3A_305], %get3A_307 {add = true} : memref<1008xf32, #tpu.memory_space<vmem>>[vector<16xi32>], vector<16xf32>,
        %get3A_308 = arith.index_cast %mul3A_303 : i32 to index
        %get3A_309 = tpu.vector_load %arg11[%get3A_308] {strides = array<i32>} : memref<2000xf32, #tpu.memory_space<vmem>>, vector<16xf32>,
        tpu.vector_store_idx %arg13[%get3A_305], %get3A_309 {add = true} : memref<1008xf32, #tpu.memory_space<vmem>>[vector<16xi32>], vector<16xf32>,
        %mul3A_310 = arith.constant 25 : i32
        %mul3A_311 = arith.muli %scan3A_105, %mul3A_310 : i32
        %add3A_312 = arith.constant 17 : i32
        %add3A_313 = arith.addi %mul3A_311, %add3A_312 : i32
        %mul3A_314 = arith.constant 16 : i32
        %mul3A_315 = arith.muli %add3A_313, %mul3A_314 : i32
        %get3A_316 = arith.index_cast %mul3A_315 : i32 to index
        %get3A_317 = tpu.vector_load %arg7[%get3A_316] {strides = array<i32>} : memref<2000xi32, #tpu.memory_space<vmem>>, vector<16xi32>,
        %get3A_318 = arith.index_cast %mul3A_315 : i32 to index
        %get3A_319 = tpu.vector_load %arg10[%get3A_318] {strides = array<i32>} : memref<2000xf32, #tpu.memory_space<vmem>>, vector<16xf32>,
        tpu.vector_store_idx %arg12[%get3A_317], %get3A_319 {add = true} : memref<1008xf32, #tpu.memory_space<vmem>>[vector<16xi32>], vector<16xf32>,
        %get3A_320 = arith.index_cast %mul3A_315 : i32 to index
        %get3A_321 = tpu.vector_load %arg11[%get3A_320] {strides = array<i32>} : memref<2000xf32, #tpu.memory_space<vmem>>, vector<16xf32>,
        tpu.vector_store_idx %arg13[%get3A_317], %get3A_321 {add = true} : memref<1008xf32, #tpu.memory_space<vmem>>[vector<16xi32>], vector<16xf32>,
        %mul3A_322 = arith.constant 25 : i32
        %mul3A_323 = arith.muli %scan3A_105, %mul3A_322 : i32
        %add3A_324 = arith.constant 18 : i32
        %add3A_325 = arith.addi %mul3A_323, %add3A_324 : i32
        %mul3A_326 = arith.constant 16 : i32
        %mul3A_327 = arith.muli %add3A_325, %mul3A_326 : i32
        %get3A_328 = arith.index_cast %mul3A_327 : i32 to index
        %get3A_329 = tpu.vector_load %arg7[%get3A_328] {strides = array<i32>} : memref<2000xi32, #tpu.memory_space<vmem>>, vector<16xi32>,
        %get3A_330 = arith.index_cast %mul3A_327 : i32 to index
        %get3A_331 = tpu.vector_load %arg10[%get3A_330] {strides = array<i32>} : memref<2000xf32, #tpu.memory_space<vmem>>, vector<16xf32>,
        tpu.vector_store_idx %arg12[%get3A_329], %get3A_331 {add = true} : memref<1008xf32, #tpu.memory_space<vmem>>[vector<16xi32>], vector<16xf32>,
        %get3A_332 = arith.index_cast %mul3A_327 : i32 to index
        %get3A_333 = tpu.vector_load %arg11[%get3A_332] {strides = array<i32>} : memref<2000xf32, #tpu.memory_space<vmem>>, vector<16xf32>,
        tpu.vector_store_idx %arg13[%get3A_329], %get3A_333 {add = true} : memref<1008xf32, #tpu.memory_space<vmem>>[vector<16xi32>], vector<16xf32>,
        %mul3A_334 = arith.constant 25 : i32
        %mul3A_335 = arith.muli %scan3A_105, %mul3A_334 : i32
        %add3A_336 = arith.constant 19 : i32
        %add3A_337 = arith.addi %mul3A_335, %add3A_336 : i32
        %mul3A_338 = arith.constant 16 : i32
        %mul3A_339 = arith.muli %add3A_337, %mul3A_338 : i32
        %get3A_340 = arith.index_cast %mul3A_339 : i32 to index
        %get3A_341 = tpu.vector_load %arg7[%get3A_340] {strides = array<i32>} : memref<2000xi32, #tpu.memory_space<vmem>>, vector<16xi32>,
        %get3A_342 = arith.index_cast %mul3A_339 : i32 to index
        %get3A_343 = tpu.vector_load %arg10[%get3A_342] {strides = array<i32>} : memref<2000xf32, #tpu.memory_space<vmem>>, vector<16xf32>,
        tpu.vector_store_idx %arg12[%get3A_341], %get3A_343 {add = true} : memref<1008xf32, #tpu.memory_space<vmem>>[vector<16xi32>], vector<16xf32>,
        %get3A_344 = arith.index_cast %mul3A_339 : i32 to index
        %get3A_345 = tpu.vector_load %arg11[%get3A_344] {strides = array<i32>} : memref<2000xf32, #tpu.memory_space<vmem>>, vector<16xf32>,
        tpu.vector_store_idx %arg13[%get3A_341], %get3A_345 {add = true} : memref<1008xf32, #tpu.memory_space<vmem>>[vector<16xi32>], vector<16xf32>,
        %mul3A_346 = arith.constant 25 : i32
        %mul3A_347 = arith.muli %scan3A_105, %mul3A_346 : i32
        %add3A_348 = arith.constant 20 : i32
        %add3A_349 = arith.addi %mul3A_347, %add3A_348 : i32
        %mul3A_350 = arith.constant 16 : i32
        %mul3A_351 = arith.muli %add3A_349, %mul3A_350 : i32
        %get3A_352 = arith.index_cast %mul3A_351 : i32 to index
        %get3A_353 = tpu.vector_load %arg7[%get3A_352] {strides = array<i32>} : memref<2000xi32, #tpu.memory_space<vmem>>, vector<16xi32>,
        %get3A_354 = arith.index_cast %mul3A_351 : i32 to index
        %get3A_355 = tpu.vector_load %arg10[%get3A_354] {strides = array<i32>} : memref<2000xf32, #tpu.memory_space<vmem>>, vector<16xf32>,
        tpu.vector_store_idx %arg12[%get3A_353], %get3A_355 {add = true} : memref<1008xf32, #tpu.memory_space<vmem>>[vector<16xi32>], vector<16xf32>,
        %get3A_356 = arith.index_cast %mul3A_351 : i32 to index
        %get3A_357 = tpu.vector_load %arg11[%get3A_356] {strides = array<i32>} : memref<2000xf32, #tpu.memory_space<vmem>>, vector<16xf32>,
        tpu.vector_store_idx %arg13[%get3A_353], %get3A_357 {add = true} : memref<1008xf32, #tpu.memory_space<vmem>>[vector<16xi32>], vector<16xf32>,
        %mul3A_358 = arith.constant 25 : i32
        %mul3A_359 = arith.muli %scan3A_105, %mul3A_358 : i32
        %add3A_360 = arith.constant 21 : i32
        %add3A_361 = arith.addi %mul3A_359, %add3A_360 : i32
        %mul3A_362 = arith.constant 16 : i32
        %mul3A_363 = arith.muli %add3A_361, %mul3A_362 : i32
        %get3A_364 = arith.index_cast %mul3A_363 : i32 to index
        %get3A_365 = tpu.vector_load %arg7[%get3A_364] {strides = array<i32>} : memref<2000xi32, #tpu.memory_space<vmem>>, vector<16xi32>,
        %get3A_366 = arith.index_cast %mul3A_363 : i32 to index
        %get3A_367 = tpu.vector_load %arg10[%get3A_366] {strides = array<i32>} : memref<2000xf32, #tpu.memory_space<vmem>>, vector<16xf32>,
        tpu.vector_store_idx %arg12[%get3A_365], %get3A_367 {add = true} : memref<1008xf32, #tpu.memory_space<vmem>>[vector<16xi32>], vector<16xf32>,
        %get3A_368 = arith.index_cast %mul3A_363 : i32 to index
        %get3A_369 = tpu.vector_load %arg11[%get3A_368] {strides = array<i32>} : memref<2000xf32, #tpu.memory_space<vmem>>, vector<16xf32>,
        tpu.vector_store_idx %arg13[%get3A_365], %get3A_369 {add = true} : memref<1008xf32, #tpu.memory_space<vmem>>[vector<16xi32>], vector<16xf32>,
        %mul3A_370 = arith.constant 25 : i32
        %mul3A_371 = arith.muli %scan3A_105, %mul3A_370 : i32
        %add3A_372 = arith.constant 22 : i32
        %add3A_373 = arith.addi %mul3A_371, %add3A_372 : i32
        %mul3A_374 = arith.constant 16 : i32
        %mul3A_375 = arith.muli %add3A_373, %mul3A_374 : i32
        %get3A_376 = arith.index_cast %mul3A_375 : i32 to index
        %get3A_377 = tpu.vector_load %arg7[%get3A_376] {strides = array<i32>} : memref<2000xi32, #tpu.memory_space<vmem>>, vector<16xi32>,
        %get3A_378 = arith.index_cast %mul3A_375 : i32 to index
        %get3A_379 = tpu.vector_load %arg10[%get3A_378] {strides = array<i32>} : memref<2000xf32, #tpu.memory_space<vmem>>, vector<16xf32>,
        tpu.vector_store_idx %arg12[%get3A_377], %get3A_379 {add = true} : memref<1008xf32, #tpu.memory_space<vmem>>[vector<16xi32>], vector<16xf32>,
        %get3A_380 = arith.index_cast %mul3A_375 : i32 to index
        %get3A_381 = tpu.vector_load %arg11[%get3A_380] {strides = array<i32>} : memref<2000xf32, #tpu.memory_space<vmem>>, vector<16xf32>,
        tpu.vector_store_idx %arg13[%get3A_377], %get3A_381 {add = true} : memref<1008xf32, #tpu.memory_space<vmem>>[vector<16xi32>], vector<16xf32>,
        %mul3A_382 = arith.constant 25 : i32
        %mul3A_383 = arith.muli %scan3A_105, %mul3A_382 : i32
        %add3A_384 = arith.constant 23 : i32
        %add3A_385 = arith.addi %mul3A_383, %add3A_384 : i32
        %mul3A_386 = arith.constant 16 : i32
        %mul3A_387 = arith.muli %add3A_385, %mul3A_386 : i32
        %get3A_388 = arith.index_cast %mul3A_387 : i32 to index
        %get3A_389 = tpu.vector_load %arg7[%get3A_388] {strides = array<i32>} : memref<2000xi32, #tpu.memory_space<vmem>>, vector<16xi32>,
        %get3A_390 = arith.index_cast %mul3A_387 : i32 to index
        %get3A_391 = tpu.vector_load %arg10[%get3A_390] {strides = array<i32>} : memref<2000xf32, #tpu.memory_space<vmem>>, vector<16xf32>,
        tpu.vector_store_idx %arg12[%get3A_389], %get3A_391 {add = true} : memref<1008xf32, #tpu.memory_space<vmem>>[vector<16xi32>], vector<16xf32>,
        %get3A_392 = arith.index_cast %mul3A_387 : i32 to index
        %get3A_393 = tpu.vector_load %arg11[%get3A_392] {strides = array<i32>} : memref<2000xf32, #tpu.memory_space<vmem>>, vector<16xf32>,
        tpu.vector_store_idx %arg13[%get3A_389], %get3A_393 {add = true} : memref<1008xf32, #tpu.memory_space<vmem>>[vector<16xi32>], vector<16xf32>,
        %mul3A_394 = arith.constant 25 : i32
        %mul3A_395 = arith.muli %scan3A_105, %mul3A_394 : i32
        %add3A_396 = arith.constant 24 : i32
        %add3A_397 = arith.addi %mul3A_395, %add3A_396 : i32
        %mul3A_398 = arith.constant 16 : i32
        %mul3A_399 = arith.muli %add3A_397, %mul3A_398 : i32
        %get3A_400 = arith.index_cast %mul3A_399 : i32 to index
        %get3A_401 = tpu.vector_load %arg7[%get3A_400] {strides = array<i32>} : memref<2000xi32, #tpu.memory_space<vmem>>, vector<16xi32>,
        %get3A_402 = arith.index_cast %mul3A_399 : i32 to index
        %get3A_403 = tpu.vector_load %arg10[%get3A_402] {strides = array<i32>} : memref<2000xf32, #tpu.memory_space<vmem>>, vector<16xf32>,
        tpu.vector_store_idx %arg12[%get3A_401], %get3A_403 {add = true} : memref<1008xf32, #tpu.memory_space<vmem>>[vector<16xi32>], vector<16xf32>,
        %get3A_404 = arith.index_cast %mul3A_399 : i32 to index
        %get3A_405 = tpu.vector_load %arg11[%get3A_404] {strides = array<i32>} : memref<2000xf32, #tpu.memory_space<vmem>>, vector<16xf32>,
        tpu.vector_store_idx %arg13[%get3A_401], %get3A_405 {add = true} : memref<1008xf32, #tpu.memory_space<vmem>>[vector<16xi32>], vector<16xf32>,
        %scan3A_406 = arith.constant 0 : i32
        scf.yield %scan3A_406 : i32
      }
      %scan3A_103 = arith.constant 5 : i32
      %scan3A_104 = arith.constant 0 : i32
      scf.yield %scan3A_104 : i32
    }
    %scan3A_32 = arith.constant 25 : i32
    %broadcast_in_dim3A = arith.constant 1.000000e+00 : f32
    %broadcast_in_dim3A_33 = vector.broadcast %broadcast_in_dim3A : f32 to vector<16xf32>
    %scan3A_34 = arith.constant 0 : i32
    %scan3A_35 = arith.constant 0 : i32
    %scan3A_36 = arith.constant 2 : i32
    %scan3A_37 = arith.addi %scan3A_35, %scan3A_36 : i32
    %scan3A_38 = arith.constant 1 : i32
    %scan3A_39 = scf.for %scan3A_49 = %scan3A_35 to %scan3A_37 step %scan3A_38 iter_args(%scan3A_50 = %scan3A_34) -> (i32)  : i32 {
      %mul3A_51 = arith.constant 4000 : i32
      %mul3A_52 = arith.muli %add3A, %mul3A_51 : i32
      %mul3A_53 = arith.constant 2000 : i32
      %mul3A_54 = arith.muli %scan3A_49, %mul3A_53 : i32
      %add3A_55 = arith.addi %mul3A_52, %mul3A_54 : i32
      "tpu.region"() ({
        %run_scoped3A = tpu.sem_alloc : memref<!tpu.dma_semaphore, #tpu.memory_space<semaphore_mem>>
        %dma_start3A_64 = tpu.memref_slice %arg3[%add3A_55] : memref<128000xi32, #tpu.memory_space<hbm>> -> memref<2000xi32, #tpu.memory_space<hbm>>
        %dma_start3A_65 = tpu.memref_slice %arg3[%add3A_55] : memref<128000xi32, #tpu.memory_space<hbm>> -> memref<2000xi32, #tpu.memory_space<hbm>>
        tpu.enqueue_dma source(%dma_start3A_65 : memref<2000xi32, #tpu.memory_space<hbm>>) target(%arg6 : memref<2000xi32, #tpu.memory_space<vmem>>) target_semaphore(%run_scoped3A : memref<!tpu.dma_semaphore, #tpu.memory_space<semaphore_mem>>)
        %dma_wait3A = tpu.memref_slice %arg3[%add3A_55] : memref<128000xi32, #tpu.memory_space<hbm>> -> memref<2000xi32, #tpu.memory_space<hbm>>
        %dma_wait3A_66 = tpu.memref_slice %arg3[%add3A_55] : memref<128000xi32, #tpu.memory_space<hbm>> -> memref<2000xi32, #tpu.memory_space<hbm>>
        tpu.wait_dma2 semaphore(%run_scoped3A : memref<!tpu.dma_semaphore, #tpu.memory_space<semaphore_mem>>) src(%dma_wait3A_66 : memref<2000xi32, #tpu.memory_space<hbm>>) dst(%arg6 : memref<2000xi32, #tpu.memory_space<vmem>>)
        tpu.yield
      }) : () -> ()
      %scan3A_56 = arith.constant 0 : i32
      %scan3A_57 = arith.constant 0 : i32
      %scan3A_58 = arith.constant 125 : i32
      %scan3A_59 = arith.addi %scan3A_57, %scan3A_58 : i32
      %scan3A_60 = arith.constant 1 : i32
      %scan3A_61 = scf.for %scan3A_64 = %scan3A_57 to %scan3A_59 step %scan3A_60 iter_args(%scan3A_65 = %scan3A_56) -> (i32)  : i32 {
        %mul3A_66 = arith.constant 16 : i32
        %mul3A_67 = arith.muli %scan3A_64, %mul3A_66 : i32
        %get3A = arith.index_cast %mul3A_67 : i32 to index
        %get3A_68 = tpu.vector_load %arg6[%get3A] {strides = array<i32>} : memref<2000xi32, #tpu.memory_space<vmem>>, vector<16xi32>,
        tpu.vector_store_idx %arg14[%get3A_68], %broadcast_in_dim3A_33 {add = true} : memref<1008xf32, #tpu.memory_space<vmem>>[vector<16xi32>], vector<16xf32>,
        %scan3A_69 = arith.constant 0 : i32
        scf.yield %scan3A_69 : i32
      }
      %scan3A_62 = arith.constant 125 : i32
      %scan3A_63 = arith.constant 0 : i32
      scf.yield %scan3A_63 : i32
    }
    %scan3A_40 = arith.constant 2 : i32
    %mul3A_41 = arith.constant 1000 : i32
    %mul3A_42 = arith.muli %mul3A_2, %mul3A_41 : i32
    "tpu.region"() ({
      %run_scoped3A = tpu.sem_alloc : memref<!tpu.dma_semaphore, #tpu.memory_space<semaphore_mem>>
      %dma_start3A_49 = arith.constant 0 : i32
      %dma_start3A_50 = tpu.memref_slice %arg12[%dma_start3A_49] : memref<1008xf32, #tpu.memory_space<vmem>> -> memref<1000xf32, #tpu.memory_space<vmem>>
      %dma_start3A_51 = tpu.memref_slice %arg4[%mul3A_42] : memref<64000xf32, #tpu.memory_space<hbm>> -> memref<1000xf32, #tpu.memory_space<hbm>>
      %dma_start3A_52 = tpu.memref_slice %arg4[%mul3A_42] : memref<64000xf32, #tpu.memory_space<hbm>> -> memref<1000xf32, #tpu.memory_space<hbm>>
      %dma_start3A_53 = arith.constant 0 : i32
      %dma_start3A_54 = tpu.memref_slice %arg12[%dma_start3A_53] : memref<1008xf32, #tpu.memory_space<vmem>> -> memref<1000xf32, #tpu.memory_space<vmem>>
      tpu.enqueue_dma source(%dma_start3A_54 : memref<1000xf32, #tpu.memory_space<vmem>>) target(%dma_start3A_52 : memref<1000xf32, #tpu.memory_space<hbm>>) target_semaphore(%run_scoped3A : memref<!tpu.dma_semaphore, #tpu.memory_space<semaphore_mem>>)
      %dma_wait3A = arith.constant 0 : i32
      %dma_wait3A_55 = tpu.memref_slice %arg12[%dma_wait3A] : memref<1008xf32, #tpu.memory_space<vmem>> -> memref<1000xf32, #tpu.memory_space<vmem>>
      %dma_wait3A_56 = tpu.memref_slice %arg4[%mul3A_42] : memref<64000xf32, #tpu.memory_space<hbm>> -> memref<1000xf32, #tpu.memory_space<hbm>>
      %dma_wait3A_57 = tpu.memref_slice %arg4[%mul3A_42] : memref<64000xf32, #tpu.memory_space<hbm>> -> memref<1000xf32, #tpu.memory_space<hbm>>
      %dma_wait3A_58 = arith.constant 0 : i32
      %dma_wait3A_59 = tpu.memref_slice %arg12[%dma_wait3A_58] : memref<1008xf32, #tpu.memory_space<vmem>> -> memref<1000xf32, #tpu.memory_space<vmem>>
      tpu.wait_dma2 semaphore(%run_scoped3A : memref<!tpu.dma_semaphore, #tpu.memory_space<semaphore_mem>>) src(%dma_wait3A_59 : memref<1000xf32, #tpu.memory_space<vmem>>) dst(%dma_wait3A_57 : memref<1000xf32, #tpu.memory_space<hbm>>)
      tpu.yield
    }) : () -> ()
    %add3A_43 = arith.constant 1 : i32
    %add3A_44 = arith.addi %mul3A_2, %add3A_43 : i32
    %mul3A_45 = arith.constant 1000 : i32
    %mul3A_46 = arith.muli %add3A_44, %mul3A_45 : i32
    "tpu.region"() ({
      %run_scoped3A = tpu.sem_alloc : memref<!tpu.dma_semaphore, #tpu.memory_space<semaphore_mem>>
      %dma_start3A_49 = arith.constant 0 : i32
      %dma_start3A_50 = tpu.memref_slice %arg13[%dma_start3A_49] : memref<1008xf32, #tpu.memory_space<vmem>> -> memref<1000xf32, #tpu.memory_space<vmem>>
      %dma_start3A_51 = tpu.memref_slice %arg4[%mul3A_46] : memref<64000xf32, #tpu.memory_space<hbm>> -> memref<1000xf32, #tpu.memory_space<hbm>>
      %dma_start3A_52 = tpu.memref_slice %arg4[%mul3A_46] : memref<64000xf32, #tpu.memory_space<hbm>> -> memref<1000xf32, #tpu.memory_space<hbm>>
      %dma_start3A_53 = arith.constant 0 : i32
      %dma_start3A_54 = tpu.memref_slice %arg13[%dma_start3A_53] : memref<1008xf32, #tpu.memory_space<vmem>> -> memref<1000xf32, #tpu.memory_space<vmem>>
      tpu.enqueue_dma source(%dma_start3A_54 : memref<1000xf32, #tpu.memory_space<vmem>>) target(%dma_start3A_52 : memref<1000xf32, #tpu.memory_space<hbm>>) target_semaphore(%run_scoped3A : memref<!tpu.dma_semaphore, #tpu.memory_space<semaphore_mem>>)
      %dma_wait3A = arith.constant 0 : i32
      %dma_wait3A_55 = tpu.memref_slice %arg13[%dma_wait3A] : memref<1008xf32, #tpu.memory_space<vmem>> -> memref<1000xf32, #tpu.memory_space<vmem>>
      %dma_wait3A_56 = tpu.memref_slice %arg4[%mul3A_46] : memref<64000xf32, #tpu.memory_space<hbm>> -> memref<1000xf32, #tpu.memory_space<hbm>>
      %dma_wait3A_57 = tpu.memref_slice %arg4[%mul3A_46] : memref<64000xf32, #tpu.memory_space<hbm>> -> memref<1000xf32, #tpu.memory_space<hbm>>
      %dma_wait3A_58 = arith.constant 0 : i32
      %dma_wait3A_59 = tpu.memref_slice %arg13[%dma_wait3A_58] : memref<1008xf32, #tpu.memory_space<vmem>> -> memref<1000xf32, #tpu.memory_space<vmem>>
      tpu.wait_dma2 semaphore(%run_scoped3A : memref<!tpu.dma_semaphore, #tpu.memory_space<semaphore_mem>>) src(%dma_wait3A_59 : memref<1000xf32, #tpu.memory_space<vmem>>) dst(%dma_wait3A_57 : memref<1000xf32, #tpu.memory_space<hbm>>)
      tpu.yield
    }) : () -> ()
    %mul3A_47 = arith.constant 1000 : i32
    %mul3A_48 = arith.muli %add3A, %mul3A_47 : i32
    "tpu.region"() ({
      %run_scoped3A = tpu.sem_alloc : memref<!tpu.dma_semaphore, #tpu.memory_space<semaphore_mem>>
      %dma_start3A_49 = arith.constant 0 : i32
      %dma_start3A_50 = tpu.memref_slice %arg14[%dma_start3A_49] : memref<1008xf32, #tpu.memory_space<vmem>> -> memref<1000xf32, #tpu.memory_space<vmem>>
      %dma_start3A_51 = tpu.memref_slice %arg5[%mul3A_48] : memref<32000xf32, #tpu.memory_space<hbm>> -> memref<1000xf32, #tpu.memory_space<hbm>>
      %dma_start3A_52 = tpu.memref_slice %arg5[%mul3A_48] : memref<32000xf32, #tpu.memory_space<hbm>> -> memref<1000xf32, #tpu.memory_space<hbm>>
      %dma_start3A_53 = arith.constant 0 : i32
      %dma_start3A_54 = tpu.memref_slice %arg14[%dma_start3A_53] : memref<1008xf32, #tpu.memory_space<vmem>> -> memref<1000xf32, #tpu.memory_space<vmem>>
      tpu.enqueue_dma source(%dma_start3A_54 : memref<1000xf32, #tpu.memory_space<vmem>>) target(%dma_start3A_52 : memref<1000xf32, #tpu.memory_space<hbm>>) target_semaphore(%run_scoped3A : memref<!tpu.dma_semaphore, #tpu.memory_space<semaphore_mem>>)
      %dma_wait3A = arith.constant 0 : i32
      %dma_wait3A_55 = tpu.memref_slice %arg14[%dma_wait3A] : memref<1008xf32, #tpu.memory_space<vmem>> -> memref<1000xf32, #tpu.memory_space<vmem>>
      %dma_wait3A_56 = tpu.memref_slice %arg5[%mul3A_48] : memref<32000xf32, #tpu.memory_space<hbm>> -> memref<1000xf32, #tpu.memory_space<hbm>>
      %dma_wait3A_57 = tpu.memref_slice %arg5[%mul3A_48] : memref<32000xf32, #tpu.memory_space<hbm>> -> memref<1000xf32, #tpu.memory_space<hbm>>
      %dma_wait3A_58 = arith.constant 0 : i32
      %dma_wait3A_59 = tpu.memref_slice %arg14[%dma_wait3A_58] : memref<1008xf32, #tpu.memory_space<vmem>> -> memref<1000xf32, #tpu.memory_space<vmem>>
      tpu.wait_dma2 semaphore(%run_scoped3A : memref<!tpu.dma_semaphore, #tpu.memory_space<semaphore_mem>>) src(%dma_wait3A_59 : memref<1000xf32, #tpu.memory_space<vmem>>) dst(%dma_wait3A_57 : memref<1000xf32, #tpu.memory_space<hbm>>)
      tpu.yield
    }) : () -> ()
    return
  }
}

module attributes {stable_mosaic.version = 14 : i64} {
  func.func @_dense_kernel(%arg0: i32, %arg1: memref<2xi32, #tpu.memory_space<smem>>, %arg2: memref<1024x64xbf16, #tpu.memory_space<vmem>>, %arg3: memref<64x4096xf32, #tpu.memory_space<vmem>>, %arg4: memref<64x9344xf32, #tpu.memory_space<vmem>>, %arg5: memref<1x9344xf32, #tpu.memory_space<vmem>>, %arg6: memref<1x4096xf32, #tpu.memory_space<vmem>>, %arg7: memref<64x4096xf32, #tpu.memory_space<vmem>>, %arg8: memref<1x4096xf32, #tpu.memory_space<vmem>>, %arg9: memref<1024x1xf32, #tpu.memory_space<vmem>>, %arg10: memref<64x1xf32, #tpu.memory_space<vmem>>) attributes {dimension_semantics = [#tpu.dimension_semantics<arbitrary>], iteration_bounds = array<i64: 25>, scalar_prefetch = 1 : i64, scratch_operands = 0 : i64, tpu.core_type = #tpu.core_type<tc>, window_params = [{pipeline_mode = #tpu.pipeline_mode<synchronous>, transform_indices = @transform_0, window_bounds = array<i64: 1024, 64>}, {transform_indices = @transform_1, window_bounds = array<i64: 64, 4096>}, {pipeline_mode = #tpu.pipeline_mode<synchronous>, transform_indices = @transform_2, window_bounds = array<i64: 64, 9344>}, {pipeline_mode = #tpu.pipeline_mode<synchronous>, transform_indices = @transform_3, window_bounds = array<i64: 1, 9344>}, {transform_indices = @transform_4, window_bounds = array<i64: 1, 4096>}, {transform_indices = @transform_5, window_bounds = array<i64: 64, 4096>}, {transform_indices = @transform_6, window_bounds = array<i64: 1, 4096>}, {pipeline_mode = #tpu.pipeline_mode<synchronous>, transform_indices = @transform_7, window_bounds = array<i64: 1024, 1>}, {pipeline_mode = #tpu.pipeline_mode<synchronous>, transform_indices = @transform_8, window_bounds = array<i64: 64, 1>}]} {
    %get3A = arith.constant 0 : index
    %get3A_0 = memref.load %arg1[%get3A] : memref<2xi32, #tpu.memory_space<smem>>
    %get3A_1 = arith.constant 1 : index
    %get3A_2 = memref.load %arg1[%get3A_1] : memref<2xi32, #tpu.memory_space<smem>>
    %eq3A = arith.constant 0 : i32
    %eq3A_3 = arith.cmpi eq, %arg0, %eq3A : i32
    %convert_element_type3A = arith.extui %eq3A_3 : i1 to i32
    %cond3A = arith.constant 0 : i32
    %cond3A_4 = arith.cmpi ne, %convert_element_type3A, %cond3A : i32
    scf.if %cond3A_4 {
      %broadcast_in_dim3A_55 = arith.constant 0.000000e+00 : f32
      %broadcast_in_dim3A_56 = vector.broadcast %broadcast_in_dim3A_55 : f32 to vector<1024x1xf32>
      %swap3A_57 = arith.constant 0 : index
      %swap3A_58 = arith.constant 0 : index
      %swap3A_59 = vector.load %arg9[%swap3A_57, %swap3A_58] : memref<1024x1xf32, #tpu.memory_space<vmem>>, vector<1024x1xf32>
      tpu.vector_store %arg9[%swap3A_57, %swap3A_58], %broadcast_in_dim3A_56 {strides = array<i32>} : memref<1024x1xf32, #tpu.memory_space<vmem>>, vector<1024x1xf32>,
      %broadcast_in_dim3A_60 = arith.constant 0.000000e+00 : f32
      %broadcast_in_dim3A_61 = vector.broadcast %broadcast_in_dim3A_60 : f32 to vector<64x1xf32>
      %swap3A_62 = arith.constant 0 : index
      %swap3A_63 = arith.constant 0 : index
      %swap3A_64 = vector.load %arg10[%swap3A_62, %swap3A_63] : memref<64x1xf32, #tpu.memory_space<vmem>>, vector<64x1xf32>
      tpu.vector_store %arg10[%swap3A_62, %swap3A_63], %broadcast_in_dim3A_61 {strides = array<i32>} : memref<64x1xf32, #tpu.memory_space<vmem>>, vector<64x1xf32>,
    } else {
    }
    %mul3A = arith.constant 4096 : i32
    %mul3A_5 = arith.muli %arg0, %mul3A : i32
    %iota3A = tpu.iota {dimensions = array<i32: 1>} : vector<1x4096xi32>
    %add3A = vector.broadcast %mul3A_5 : i32 to vector<1x4096xi32>
    %add3A_6 = arith.addi %add3A, %iota3A : vector<1x4096xi32>
    %ge3A = vector.broadcast %get3A_0 : i32 to vector<1x4096xi32>
    %ge3A_7 = arith.cmpi sge, %add3A_6, %ge3A : vector<1x4096xi32>
    %add3A_8 = arith.constant 1024 : i32
    %add3A_9 = arith.addi %get3A_0, %add3A_8 : i32
    %lt3A = vector.broadcast %add3A_9 : i32 to vector<1x4096xi32>
    %lt3A_10 = arith.cmpi slt, %add3A_6, %lt3A : vector<1x4096xi32>
    %and3A = arith.andi %ge3A_7, %lt3A_10 : vector<1x4096xi1>
    %lt3A_11 = arith.constant 100000 : i32
    %lt3A_12 = vector.broadcast %lt3A_11 : i32 to vector<1x4096xi32>
    %lt3A_13 = arith.cmpi slt, %add3A_6, %lt3A_12 : vector<1x4096xi32>
    %add3A_14 = arith.constant 1 : i32
    %add3A_15 = arith.addi %arg0, %add3A_14 : i32
    %mul3A_16 = arith.constant 32 : i32
    %mul3A_17 = arith.muli %add3A_15, %mul3A_16 : i32
    %sub3A = arith.subi %mul3A_17, %get3A_2 : i32
    %jit3A = arith.constant 0 : i32
    %jit3A_18 = arith.constant 41 : i32
    %max3A = arith.maxsi %jit3A, %sub3A : i32
    %min3A = arith.minsi %jit3A_18, %max3A : i32
    %mul3A_19 = arith.constant 128 : i32
    %mul3A_20 = arith.muli %mul3A_19, %min3A : i32
    %get3A_21 = arith.constant 0 : index
    %get3A_22 = arith.index_cast %mul3A_20 : i32 to index
    %get3A_23 = vector.load %arg4[%get3A_21, %get3A_22] : memref<64x9344xf32, #tpu.memory_space<vmem>>, vector<64x4096xf32>
    %get3A_24 = arith.constant 0 : index
    %get3A_25 = arith.constant 0 : index
    %get3A_26 = vector.load %arg3[%get3A_24, %get3A_25] : memref<64x4096xf32, #tpu.memory_space<vmem>>, vector<64x4096xf32>
    %broadcast_in_dim3A = vector.shape_cast %and3A : vector<1x4096xi1> to vector<1x4096xi1>
    %broadcast_in_dim3A_27 = vector.broadcast %broadcast_in_dim3A : vector<1x4096xi1> to vector<64x4096xi1>
    %select_n3A = arith.select %broadcast_in_dim3A_27, %get3A_23, %get3A_26 : vector<64x4096xi1>, vector<64x4096xf32>
    %swap3A = arith.constant 0 : index
    %swap3A_28 = arith.constant 0 : index
    %swap3A_29 = vector.load %arg7[%swap3A, %swap3A_28] : memref<64x4096xf32, #tpu.memory_space<vmem>>, vector<64x4096xf32>
    tpu.vector_store %arg7[%swap3A, %swap3A_28], %select_n3A {strides = array<i32>} : memref<64x4096xf32, #tpu.memory_space<vmem>>, vector<64x4096xf32>,
    %get3A_30 = arith.constant 0 : index
    %get3A_31 = arith.index_cast %mul3A_20 : i32 to index
    %get3A_32 = vector.load %arg5[%get3A_30, %get3A_31] : memref<1x9344xf32, #tpu.memory_space<vmem>>, vector<1x4096xf32>
    %get3A_33 = arith.constant 0 : index
    %get3A_34 = arith.constant 0 : index
    %get3A_35 = vector.load %arg6[%get3A_33, %get3A_34] : memref<1x4096xf32, #tpu.memory_space<vmem>>, vector<1x4096xf32>
    %select_n3A_36 = arith.select %and3A, %get3A_32, %get3A_35 : vector<1x4096xi1>, vector<1x4096xf32>
    %swap3A_37 = arith.constant 0 : index
    %swap3A_38 = arith.constant 0 : index
    %swap3A_39 = vector.load %arg8[%swap3A_37, %swap3A_38] : memref<1x4096xf32, #tpu.memory_space<vmem>>, vector<1x4096xf32>
    tpu.vector_store %arg8[%swap3A_37, %swap3A_38], %select_n3A_36 {strides = array<i32>} : memref<1x4096xf32, #tpu.memory_space<vmem>>, vector<1x4096xf32>,
    %get3A_40 = arith.constant 0 : index
    %get3A_41 = arith.constant 0 : index
    %get3A_42 = vector.load %arg2[%get3A_40, %get3A_41] : memref<1024x64xbf16, #tpu.memory_space<vmem>>, vector<1024x64xbf16>
    %convert_element_type3A_43 = arith.truncf %select_n3A : vector<64x4096xf32> to vector<64x4096xbf16>
    %dot_general3A = arith.constant dense<0.000000e+00> : vector<1024x4096xf32>
    %dot_general3A_44 = tpu.matmul %get3A_42, %convert_element_type3A_43, %dot_general3A {dimension_numbers = #tpu.dot_dimension_numbers<[1], [0], [0], [1], [0, 0, 1, 1], [], []>, transpose_lhs_hint = false} : vector<1024x64xbf16>, vector<64x4096xbf16>, vector<1024x4096xf32> -> vector<1024x4096xf32>
    %lt3A_45 = arith.constant 24 : i32
    %lt3A_46 = arith.cmpi slt, %arg0, %lt3A_45 : i32
    %convert_element_type3A_47 = arith.extui %lt3A_46 : i1 to i32
    %cond3A_48 = arith.constant 0 : i32
    %cond3A_49 = arith.cmpi ne, %convert_element_type3A_47, %cond3A_48 : i32
    scf.if %cond3A_49 {
      %convert_element_type3A_55 = arith.truncf %dot_general3A_44 : vector<1024x4096xf32> to vector<1024x4096xbf16>
      %exp3A = math.exp %convert_element_type3A_55 : vector<1024x4096xbf16>
      %get3A_56 = arith.constant 0 : index
      %get3A_57 = arith.constant 0 : index
      %get3A_58 = vector.load %arg9[%get3A_56, %get3A_57] : memref<1024x1xf32, #tpu.memory_space<vmem>>, vector<1024x1xf32>
      %convert_element_type3A_59 = arith.extf %exp3A : vector<1024x4096xbf16> to vector<1024x4096xf32>
      %reduce_sum3A = arith.constant dense<0.000000e+00> : vector<1024xf32>
      %reduce_sum3A_60 = vector.multi_reduction <add>, %convert_element_type3A_59, %reduce_sum3A [1] : vector<1024x4096xf32> to vector<1024xf32>
      %broadcast_in_dim3A_61 = vector.shape_cast %reduce_sum3A_60 : vector<1024xf32> to vector<1024x1xf32>
      %convert_element_type3A_62 = arith.truncf %broadcast_in_dim3A_61 : vector<1024x1xf32> to vector<1024x1xbf16>
      %convert_element_type3A_63 = arith.extf %convert_element_type3A_62 : vector<1024x1xbf16> to vector<1024x1xf32>
      %add3A_64 = arith.addf %get3A_58, %convert_element_type3A_63 : vector<1024x1xf32>
      %swap3A_65 = arith.constant 0 : index
      %swap3A_66 = arith.constant 0 : index
      %swap3A_67 = vector.load %arg9[%swap3A_65, %swap3A_66] : memref<1024x1xf32, #tpu.memory_space<vmem>>, vector<1024x1xf32>
      tpu.vector_store %arg9[%swap3A_65, %swap3A_66], %add3A_64 {strides = array<i32>} : memref<1024x1xf32, #tpu.memory_space<vmem>>, vector<1024x1xf32>,
      %get3A_68 = arith.constant 0 : index
      %get3A_69 = arith.constant 0 : index
      %get3A_70 = vector.load %arg10[%get3A_68, %get3A_69] : memref<64x1xf32, #tpu.memory_space<vmem>>, vector<64x1xf32>
      %reduce_sum3A_71 = arith.constant dense<0.000000e+00> : vector<64xf32>
      %reduce_sum3A_72 = vector.multi_reduction <add>, %select_n3A, %reduce_sum3A_71 [1] : vector<64x4096xf32> to vector<64xf32>
      %broadcast_in_dim3A_73 = vector.shape_cast %reduce_sum3A_72 : vector<64xf32> to vector<64x1xf32>
      %add3A_74 = arith.addf %get3A_70, %broadcast_in_dim3A_73 : vector<64x1xf32>
      %swap3A_75 = arith.constant 0 : index
      %swap3A_76 = arith.constant 0 : index
      %swap3A_77 = vector.load %arg10[%swap3A_75, %swap3A_76] : memref<64x1xf32, #tpu.memory_space<vmem>>, vector<64x1xf32>
      tpu.vector_store %arg10[%swap3A_75, %swap3A_76], %add3A_74 {strides = array<i32>} : memref<64x1xf32, #tpu.memory_space<vmem>>, vector<64x1xf32>,
    } else {
    }
    %eq3A_50 = arith.constant 24 : i32
    %eq3A_51 = arith.cmpi eq, %arg0, %eq3A_50 : i32
    %convert_element_type3A_52 = arith.extui %eq3A_51 : i1 to i32
    %cond3A_53 = arith.constant 0 : i32
    %cond3A_54 = arith.cmpi ne, %convert_element_type3A_52, %cond3A_53 : i32
    scf.if %cond3A_54 {
      %get3A_55 = arith.constant 0 : index
      %get3A_56 = arith.constant 0 : index
      %get3A_57 = vector.load %arg9[%get3A_55, %get3A_56] : memref<1024x1xf32, #tpu.memory_space<vmem>>, vector<1024x1xf32>
      %exp3A = math.exp %dot_general3A_44 : vector<1024x4096xf32>
      %jit3A_58 = arith.constant 0.000000e+00 : f32
      %broadcast_in_dim3A_59 = vector.shape_cast %lt3A_13 : vector<1x4096xi1> to vector<1x4096xi1>
      %broadcast_in_dim3A_60 = vector.broadcast %broadcast_in_dim3A_59 : vector<1x4096xi1> to vector<1024x4096xi1>
      %broadcast_in_dim3A_61 = vector.broadcast %jit3A_58 : f32 to vector<1024x4096xf32>
      %select_n3A_62 = arith.select %broadcast_in_dim3A_60, %exp3A, %broadcast_in_dim3A_61 : vector<1024x4096xi1>, vector<1024x4096xf32>
      %reduce_sum3A = arith.constant dense<0.000000e+00> : vector<1024xf32>
      %reduce_sum3A_63 = vector.multi_reduction <add>, %select_n3A_62, %reduce_sum3A [1] : vector<1024x4096xf32> to vector<1024xf32>
      %broadcast_in_dim3A_64 = vector.shape_cast %reduce_sum3A_63 : vector<1024xf32> to vector<1024x1xf32>
      %add3A_65 = arith.addf %get3A_57, %broadcast_in_dim3A_64 : vector<1024x1xf32>
      %swap3A_66 = arith.constant 0 : index
      %swap3A_67 = arith.constant 0 : index
      %swap3A_68 = vector.load %arg9[%swap3A_66, %swap3A_67] : memref<1024x1xf32, #tpu.memory_space<vmem>>, vector<1024x1xf32>
      tpu.vector_store %arg9[%swap3A_66, %swap3A_67], %add3A_65 {strides = array<i32>} : memref<1024x1xf32, #tpu.memory_space<vmem>>, vector<1024x1xf32>,
      %get3A_69 = arith.constant 0 : index
      %get3A_70 = arith.constant 0 : index
      %get3A_71 = vector.load %arg10[%get3A_69, %get3A_70] : memref<64x1xf32, #tpu.memory_space<vmem>>, vector<64x1xf32>
      %jit3A_72 = arith.constant 0.000000e+00 : f32
      %broadcast_in_dim3A_73 = vector.shape_cast %lt3A_13 : vector<1x4096xi1> to vector<1x4096xi1>
      %broadcast_in_dim3A_74 = vector.broadcast %broadcast_in_dim3A_73 : vector<1x4096xi1> to vector<64x4096xi1>
      %broadcast_in_dim3A_75 = vector.broadcast %jit3A_72 : f32 to vector<64x4096xf32>
      %select_n3A_76 = arith.select %broadcast_in_dim3A_74, %select_n3A, %broadcast_in_dim3A_75 : vector<64x4096xi1>, vector<64x4096xf32>
      %reduce_sum3A_77 = arith.constant dense<0.000000e+00> : vector<64xf32>
      %reduce_sum3A_78 = vector.multi_reduction <add>, %select_n3A_76, %reduce_sum3A_77 [1] : vector<64x4096xf32> to vector<64xf32>
      %broadcast_in_dim3A_79 = vector.shape_cast %reduce_sum3A_78 : vector<64xf32> to vector<64x1xf32>
      %add3A_80 = arith.addf %get3A_71, %broadcast_in_dim3A_79 : vector<64x1xf32>
      %swap3A_81 = arith.constant 0 : index
      %swap3A_82 = arith.constant 0 : index
      %swap3A_83 = vector.load %arg10[%swap3A_81, %swap3A_82] : memref<64x1xf32, #tpu.memory_space<vmem>>, vector<64x1xf32>
      tpu.vector_store %arg10[%swap3A_81, %swap3A_82], %add3A_80 {strides = array<i32>} : memref<64x1xf32, #tpu.memory_space<vmem>>, vector<64x1xf32>,
    } else {
    }
    return
  }
  func.func @transform_0(%arg0: i32, %arg1: memref<2xi32, #tpu.memory_space<smem>>) -> (i32, i32) {
    %c0_i32 = arith.constant 0 : i32
    %c0_i32_0 = arith.constant 0 : i32
    %c0_i32_1 = arith.constant 0 : i32
    return %c0_i32, %c0_i32_0 : i32, i32
  }
  func.func @transform_1(%arg0: i32, %arg1: memref<2xi32, #tpu.memory_space<smem>>) -> (i32, i32) {
    %c0_i32 = arith.constant 0 : i32
    %c0_i32_0 = arith.constant 0 : i32
    return %c0_i32, %arg0 : i32, i32
  }
  func.func @transform_2(%arg0: i32, %arg1: memref<2xi32, #tpu.memory_space<smem>>) -> (i32, i32) {
    %c0_i32 = arith.constant 0 : i32
    %c0_i32_0 = arith.constant 0 : i32
    %c0_i32_1 = arith.constant 0 : i32
    return %c0_i32, %c0_i32_0 : i32, i32
  }
  func.func @transform_3(%arg0: i32, %arg1: memref<2xi32, #tpu.memory_space<smem>>) -> (i32, i32) {
    %c0_i32 = arith.constant 0 : i32
    %c0_i32_0 = arith.constant 0 : i32
    %c0_i32_1 = arith.constant 0 : i32
    return %c0_i32, %c0_i32_0 : i32, i32
  }
  func.func @transform_4(%arg0: i32, %arg1: memref<2xi32, #tpu.memory_space<smem>>) -> (i32, i32) {
    %c0_i32 = arith.constant 0 : i32
    %c0_i32_0 = arith.constant 0 : i32
    return %c0_i32, %arg0 : i32, i32
  }
  func.func @transform_5(%arg0: i32, %arg1: memref<2xi32, #tpu.memory_space<smem>>) -> (i32, i32) {
    %c0_i32 = arith.constant 0 : i32
    %c0_i32_0 = arith.constant 0 : i32
    return %c0_i32, %arg0 : i32, i32
  }
  func.func @transform_6(%arg0: i32, %arg1: memref<2xi32, #tpu.memory_space<smem>>) -> (i32, i32) {
    %c0_i32 = arith.constant 0 : i32
    %c0_i32_0 = arith.constant 0 : i32
    return %c0_i32, %arg0 : i32, i32
  }
  func.func @transform_7(%arg0: i32, %arg1: memref<2xi32, #tpu.memory_space<smem>>) -> (i32, i32) {
    %c0_i32 = arith.constant 0 : i32
    %c0_i32_0 = arith.constant 0 : i32
    %c0_i32_1 = arith.constant 0 : i32
    return %c0_i32, %c0_i32_0 : i32, i32
  }
  func.func @transform_8(%arg0: i32, %arg1: memref<2xi32, #tpu.memory_space<smem>>) -> (i32, i32) {
    %c0_i32 = arith.constant 0 : i32
    %c0_i32_0 = arith.constant 0 : i32
    %c0_i32_1 = arith.constant 0 : i32
    return %c0_i32, %c0_i32_0 : i32, i32
  }
}

module attributes {stable_mosaic.version = 14 : i64} {
  func.func @_loss_kernel(%arg0: memref<1024x1xf32, #tpu.memory_space<vmem>>, %arg1: memref<64x1xf32, #tpu.memory_space<vmem>>, %arg2: memref<1024x64xbf16, #tpu.memory_space<vmem>>, %arg3: memref<1024x64xf32, #tpu.memory_space<vmem>>, %arg4: memref<1024x1xf32, #tpu.memory_space<vmem>>, %arg5: memref<64x1000xf32, #tpu.memory_space<vmem>>, %arg6: memref<32x1000xf32, #tpu.memory_space<vmem>>, %arg7: memref<64x1024xbf16, #tpu.memory_space<vmem>>, %arg8: memref<64x1024xbf16, #tpu.memory_space<vmem>>, %arg9: memref<1024x1xf32, #tpu.memory_space<vmem>>, %arg10: memref<1024x1xf32, #tpu.memory_space<vmem>>, %arg11: memref<1x1xf32, #tpu.memory_space<vmem>>) attributes {dimension_semantics = [], scalar_prefetch = 0 : i64, scratch_operands = 0 : i64, tpu.core_type = #tpu.core_type<tc>} {
    %iota3A = tpu.iota {dimensions = array<i32: 1>} : vector<1x1000xi32>
    %convert_element_type3A = arith.sitofp %iota3A : vector<1x1000xi32> to vector<1x1000xf32>
    %get3A = arith.constant 0 : index
    %get3A_0 = arith.constant 0 : index
    %get3A_1 = vector.load %arg9[%get3A, %get3A_0] : memref<1024x1xf32, #tpu.memory_space<vmem>>, vector<1024x1xf32>
    %eq3A = vector.broadcast %get3A_1 : vector<1024x1xf32> to vector<1024x1000xf32>
    %eq3A_2 = vector.broadcast %convert_element_type3A : vector<1x1000xf32> to vector<1024x1000xf32>
    %eq3A_3 = arith.cmpf oeq, %eq3A, %eq3A_2 : vector<1024x1000xf32>
    %jit3A = arith.constant 1.000000e+00 : f32
    %jit3A_4 = arith.constant 0.000000e+00 : f32
    %broadcast_in_dim3A = vector.broadcast %jit3A : f32 to vector<1024x1000xf32>
    %broadcast_in_dim3A_5 = vector.broadcast %jit3A_4 : f32 to vector<1024x1000xf32>
    %select_n3A = arith.select %eq3A_3, %broadcast_in_dim3A, %broadcast_in_dim3A_5 : vector<1024x1000xi1>, vector<1024x1000xf32>
    %convert_element_type3A_6 = arith.truncf %select_n3A : vector<1024x1000xf32> to vector<1024x1000xbf16>
    %get3A_7 = arith.constant 0 : index
    %get3A_8 = arith.constant 0 : index
    %get3A_9 = vector.load %arg10[%get3A_7, %get3A_8] : memref<1024x1xf32, #tpu.memory_space<vmem>>, vector<1024x1xf32>
    %eq3A_10 = vector.broadcast %get3A_9 : vector<1024x1xf32> to vector<1024x1000xf32>
    %eq3A_11 = vector.broadcast %convert_element_type3A : vector<1x1000xf32> to vector<1024x1000xf32>
    %eq3A_12 = arith.cmpf oeq, %eq3A_10, %eq3A_11 : vector<1024x1000xf32>
    %jit3A_13 = arith.constant 1.000000e+00 : f32
    %jit3A_14 = arith.constant 0.000000e+00 : f32
    %broadcast_in_dim3A_15 = vector.broadcast %jit3A_13 : f32 to vector<1024x1000xf32>
    %broadcast_in_dim3A_16 = vector.broadcast %jit3A_14 : f32 to vector<1024x1000xf32>
    %select_n3A_17 = arith.select %eq3A_12, %broadcast_in_dim3A_15, %broadcast_in_dim3A_16 : vector<1024x1000xi1>, vector<1024x1000xf32>
    %convert_element_type3A_18 = arith.truncf %select_n3A_17 : vector<1024x1000xf32> to vector<1024x1000xbf16>
    %get3A_19 = arith.constant 0 : index
    %get3A_20 = arith.constant 0 : index
    %get3A_21 = vector.load %arg5[%get3A_19, %get3A_20] : memref<64x1000xf32, #tpu.memory_space<vmem>>, vector<64x1000xf32>
    %get3A_22 = arith.constant 0 : index
    %get3A_23 = arith.constant 0 : index
    %get3A_24 = vector.load %arg8[%get3A_22, %get3A_23] : memref<64x1024xbf16, #tpu.memory_space<vmem>>, vector<64x1024xbf16>
    %dot_general3A = arith.constant dense<0.000000e+00> : vector<64x1000xf32>
    %dot_general3A_25 = tpu.matmul %get3A_24, %convert_element_type3A_18, %dot_general3A {dimension_numbers = #tpu.dot_dimension_numbers<[1], [0], [0], [1], [0, 0, 1, 1], [], []>, transpose_lhs_hint = false} : vector<64x1024xbf16>, vector<1024x1000xbf16>, vector<64x1000xf32> -> vector<64x1000xf32>
    %add3A = arith.addf %get3A_21, %dot_general3A_25 : vector<64x1000xf32>
    %get3A_26 = arith.constant 0 : index
    %get3A_27 = arith.constant 0 : index
    %get3A_28 = vector.load %arg7[%get3A_26, %get3A_27] : memref<64x1024xbf16, #tpu.memory_space<vmem>>, vector<64x1024xbf16>
    %dot_general3A_29 = arith.constant dense<0.000000e+00> : vector<64x1000xf32>
    %dot_general3A_30 = tpu.matmul %get3A_28, %convert_element_type3A_6, %dot_general3A_29 {dimension_numbers = #tpu.dot_dimension_numbers<[1], [0], [0], [1], [0, 0, 1, 1], [], []>, transpose_lhs_hint = false} : vector<64x1024xbf16>, vector<1024x1000xbf16>, vector<64x1000xf32> -> vector<64x1000xf32>
    %sub3A = arith.subf %add3A, %dot_general3A_30 : vector<64x1000xf32>
    %get3A_31 = arith.constant 0 : index
    %get3A_32 = arith.constant 0 : index
    %get3A_33 = vector.load %arg6[%get3A_31, %get3A_32] : memref<32x1000xf32, #tpu.memory_space<vmem>>, vector<32x1000xf32>
    %reduce_sum3A = arith.constant dense<0.000000e+00> : vector<1000xf32>
    %reduce_sum3A_34 = vector.multi_reduction <add>, %get3A_33, %reduce_sum3A [0] : vector<32x1000xf32> to vector<1000xf32>
    %broadcast_in_dim3A_35 = vector.shape_cast %reduce_sum3A_34 : vector<1000xf32> to vector<1x1000xf32>
    %convert_element_type3A_36 = arith.extf %convert_element_type3A_18 : vector<1024x1000xbf16> to vector<1024x1000xf32>
    %reduce_sum3A_37 = arith.constant dense<0.000000e+00> : vector<1000xf32>
    %reduce_sum3A_38 = vector.multi_reduction <add>, %convert_element_type3A_36, %reduce_sum3A_37 [0] : vector<1024x1000xf32> to vector<1000xf32>
    %broadcast_in_dim3A_39 = vector.shape_cast %reduce_sum3A_38 : vector<1000xf32> to vector<1x1000xf32>
    %add3A_40 = arith.addf %broadcast_in_dim3A_35, %broadcast_in_dim3A_39 : vector<1x1000xf32>
    %convert_element_type3A_41 = arith.extf %convert_element_type3A_6 : vector<1024x1000xbf16> to vector<1024x1000xf32>
    %reduce_sum3A_42 = arith.constant dense<0.000000e+00> : vector<1000xf32>
    %reduce_sum3A_43 = vector.multi_reduction <add>, %convert_element_type3A_41, %reduce_sum3A_42 [0] : vector<1024x1000xf32> to vector<1000xf32>
    %broadcast_in_dim3A_44 = vector.shape_cast %reduce_sum3A_43 : vector<1000xf32> to vector<1x1000xf32>
    %sub3A_45 = arith.subf %add3A_40, %broadcast_in_dim3A_44 : vector<1x1000xf32>
    %get3A_46 = arith.constant 0 : index
    %get3A_47 = arith.constant 0 : index
    %get3A_48 = vector.load %arg2[%get3A_46, %get3A_47] : memref<1024x64xbf16, #tpu.memory_space<vmem>>, vector<1024x64xbf16>
    %convert_element_type3A_49 = arith.truncf %sub3A : vector<64x1000xf32> to vector<64x1000xbf16>
    %dot_general3A_50 = arith.constant dense<0.000000e+00> : vector<1024x1000xf32>
    %dot_general3A_51 = tpu.matmul %get3A_48, %convert_element_type3A_49, %dot_general3A_50 {dimension_numbers = #tpu.dot_dimension_numbers<[1], [0], [0], [1], [0, 0, 1, 1], [], []>, transpose_lhs_hint = false} : vector<1024x64xbf16>, vector<64x1000xbf16>, vector<1024x1000xf32> -> vector<1024x1000xf32>
    %get3A_52 = arith.constant 0 : index
    %get3A_53 = arith.constant 0 : index
    %get3A_54 = vector.load %arg4[%get3A_52, %get3A_53] : memref<1024x1xf32, #tpu.memory_space<vmem>>, vector<1024x1xf32>
    %eq3A_55 = vector.broadcast %get3A_54 : vector<1024x1xf32> to vector<1024x1000xf32>
    %eq3A_56 = vector.broadcast %convert_element_type3A : vector<1x1000xf32> to vector<1024x1000xf32>
    %eq3A_57 = arith.cmpf oeq, %eq3A_55, %eq3A_56 : vector<1024x1000xf32>
    %jit3A_58 = arith.constant 0.000000e+00 : f32
    %broadcast_in_dim3A_59 = vector.broadcast %jit3A_58 : f32 to vector<1024x1000xf32>
    %select_n3A_60 = arith.select %eq3A_57, %dot_general3A_51, %broadcast_in_dim3A_59 : vector<1024x1000xi1>, vector<1024x1000xf32>
    %reduce_sum3A_61 = arith.constant dense<0.000000e+00> : vector<1024xf32>
    %reduce_sum3A_62 = vector.multi_reduction <add>, %select_n3A_60, %reduce_sum3A_61 [1] : vector<1024x1000xf32> to vector<1024xf32>
    %broadcast_in_dim3A_63 = vector.shape_cast %reduce_sum3A_62 : vector<1024xf32> to vector<1024x1xf32>
    %jit3A_64 = arith.constant 0.000000e+00 : f32
    %broadcast_in_dim3A_65 = vector.shape_cast %sub3A_45 : vector<1x1000xf32> to vector<1x1000xf32>
    %broadcast_in_dim3A_66 = vector.broadcast %broadcast_in_dim3A_65 : vector<1x1000xf32> to vector<1024x1000xf32>
    %broadcast_in_dim3A_67 = vector.broadcast %jit3A_64 : f32 to vector<1024x1000xf32>
    %select_n3A_68 = arith.select %eq3A_57, %broadcast_in_dim3A_66, %broadcast_in_dim3A_67 : vector<1024x1000xi1>, vector<1024x1000xf32>
    %reduce_sum3A_69 = arith.constant dense<0.000000e+00> : vector<1024xf32>
    %reduce_sum3A_70 = vector.multi_reduction <add>, %select_n3A_68, %reduce_sum3A_69 [1] : vector<1024x1000xf32> to vector<1024xf32>
    %broadcast_in_dim3A_71 = vector.shape_cast %reduce_sum3A_70 : vector<1024xf32> to vector<1024x1xf32>
    %get3A_72 = arith.constant 0 : index
    %get3A_73 = arith.constant 0 : index
    %get3A_74 = vector.load %arg0[%get3A_72, %get3A_73] : memref<1024x1xf32, #tpu.memory_space<vmem>>, vector<1024x1xf32>
    %log3A = math.log %get3A_74 : vector<1024x1xf32>
    %sub3A_75 = arith.constant 1.000000e+05 : f32
    %sub3A_76 = vector.broadcast %sub3A_75 : f32 to vector<1024x1xf32>
    %sub3A_77 = arith.subf %sub3A_76, %broadcast_in_dim3A_71 : vector<1024x1xf32>
    %get3A_78 = arith.constant 0 : index
    %get3A_79 = arith.constant 0 : index
    %get3A_80 = vector.load %arg3[%get3A_78, %get3A_79] : memref<1024x64xf32, #tpu.memory_space<vmem>>, vector<1024x64xf32>
    %reduce_sum3A_81 = arith.constant dense<0.000000e+00> : vector<64xf32>
    %reduce_sum3A_82 = vector.multi_reduction <add>, %get3A_80, %reduce_sum3A_81 [0] : vector<1024x64xf32> to vector<64xf32>
    %broadcast_in_dim3A_83 = vector.shape_cast %reduce_sum3A_82 : vector<64xf32> to vector<1x64xf32>
    %get3A_84 = arith.constant 0 : index
    %get3A_85 = arith.constant 0 : index
    %get3A_86 = vector.load %arg1[%get3A_84, %get3A_85] : memref<64x1xf32, #tpu.memory_space<vmem>>, vector<64x1xf32>
    %dot_general3A_87 = arith.constant dense<0.000000e+00> : vector<1x1xf32>
    %dot_general3A_88 = tpu.matmul %broadcast_in_dim3A_83, %get3A_86, %dot_general3A_87 {dimension_numbers = #tpu.dot_dimension_numbers<[1], [0], [0], [1], [0, 0, 1, 1], [], []>, transpose_lhs_hint = false} : vector<1x64xf32>, vector<64x1xf32>, vector<1x1xf32> -> vector<1x1xf32>
    %mul3A = arith.mulf %sub3A_77, %log3A : vector<1024x1xf32>
    %reduce_sum3A_89 = vector.shape_cast %mul3A : vector<1024x1xf32> to vector<1x1024x1xf32>
    %reduce_sum3A_90 = arith.constant dense<0.000000e+00> : vector<1xf32>
    %reduce_sum3A_91 = vector.multi_reduction <add>, %reduce_sum3A_89, %reduce_sum3A_90 [1, 2] : vector<1x1024x1xf32> to vector<1xf32>
    %reduce_sum3A_92 = vector.shape_cast %reduce_sum3A_91 : vector<1xf32> to vector<1x1x1xf32>
    %reduce_sum3A_93 = vector.extract %reduce_sum3A_92[0, 0, 0] : f32 from vector<1x1x1xf32>
    %squeeze3A = vector.extract %dot_general3A_88[0, 0] : f32 from vector<1x1xf32>
    %sub3A_94 = arith.subf %reduce_sum3A_93, %squeeze3A : f32
    %reduce_sum3A_95 = vector.shape_cast %broadcast_in_dim3A_63 : vector<1024x1xf32> to vector<1x1024x1xf32>
    %reduce_sum3A_96 = arith.constant dense<0.000000e+00> : vector<1xf32>
    %reduce_sum3A_97 = vector.multi_reduction <add>, %reduce_sum3A_95, %reduce_sum3A_96 [1, 2] : vector<1x1024x1xf32> to vector<1xf32>
    %reduce_sum3A_98 = vector.shape_cast %reduce_sum3A_97 : vector<1xf32> to vector<1x1x1xf32>
    %reduce_sum3A_99 = vector.extract %reduce_sum3A_98[0, 0, 0] : f32 from vector<1x1x1xf32>
    %add3A_100 = arith.addf %sub3A_94, %reduce_sum3A_99 : f32
    %reduce_sum3A_101 = vector.shape_cast %sub3A_77 : vector<1024x1xf32> to vector<1x1024x1xf32>
    %reduce_sum3A_102 = arith.constant dense<0.000000e+00> : vector<1xf32>
    %reduce_sum3A_103 = vector.multi_reduction <add>, %reduce_sum3A_101, %reduce_sum3A_102 [1, 2] : vector<1x1024x1xf32> to vector<1xf32>
    %reduce_sum3A_104 = vector.shape_cast %reduce_sum3A_103 : vector<1xf32> to vector<1x1x1xf32>
    %reduce_sum3A_105 = vector.extract %reduce_sum3A_104[0, 0, 0] : f32 from vector<1x1x1xf32>
    %div3A = arith.divf %add3A_100, %reduce_sum3A_105 : f32
    %reshape3A = vector.broadcast %div3A : f32 to vector<1x1xf32>
    %swap3A = arith.constant 0 : index
    %swap3A_106 = arith.constant 0 : index
    %swap3A_107 = vector.load %arg11[%swap3A, %swap3A_106] : memref<1x1xf32, #tpu.memory_space<vmem>>, vector<1x1xf32>
    tpu.vector_store %arg11[%swap3A, %swap3A_106], %reshape3A {strides = array<i32>} : memref<1x1xf32, #tpu.memory_space<vmem>>, vector<1x1xf32>,
    return
  }
}

</mosaic_0001>

<sc_bundles>
// kernel: kernel.5.cloned.1.call-start
scs
__scs_entry_jumppad:
0x0: {  	(pc) =	sbr.rel $0x88, $3  }
0x1: {  	(tag) =	ssettag $0x0;
	lr =	simm.s32 $0x1  }
0x2: {  	[smem:$0x3F9A] =	sst lr;
	_ =	strace $0xD0000000  }
0x3: {  	_ = 	snop  }
0x4: {  	_ = 	snop  }
0x5: {  	_ = 	snop  }
0x6: {  	_ = 	snop  }
0x7: {  	_ = 	snop  }
__scs_overlays_trampoline_lowered:
0x8: {  	[smem:$0x3FA9] =	sst s0  }
0x9: {  	[smem:$0x3FAA] =	sst s1  }
0xa: {  	[smem:$0x3FAB] =	sst s2  }
0xb: {  	[smem:$0x3FAC] =	sst s3  }
0xc: {  	[smem:$0x3FAD] =	sst s4  }
0xd: {  	[smem:$0x3FAE] =	sst s5  }
0xe: {  	[smem:$0x3FAF] =	sst s6  }
0xf: {  	[smem:$0x3FB0] =	sst s7  }
0x10: {  	[smem:$0x3FB1] =	sst s8  }
0x11: {  	[smem:$0x3FB2] =	sst s9;
	s0 =	simm.s32 @!p0 $0x0  }
0x12: {  	s1 =	sld [smem:$0x3F98];
	s0 =	simm.s32 @p0 $0x1  }
0x13: {  	[smem:$0x3FB3] =	sst s0;
	s0 =	simm.s32 @!p1 $0x0  }
0x14: {  	s2 =	sld [smem:$0x3F97];
	s0 =	simm.s32 @p1 $0x1  }
0x15: {  	[smem:$0x3FB4] =	sst s0;
	s0 =	simm.s32 @!p2 $0x0  }
0x16: {  	s3 =	sld [smem:$0x3FDB];
	s0 =	simm.s32 @p2 $0x1  }
0x17: {  	s4 =	simm.s32 $0x1BF5;
	[smem:$0x3FB6] =	sst s0  }
0x18: {  	s0 =	sld [smem:$0x3F99];
	_ =	swait.ge [sflag:s4], $0x0  }
0x19: {  	s7 =	sld [smem:$0x3F9A]  }
0x1a: {  	s8 =	sadd.s32 $0xFFFFE003, lr  }
0x1b: {  	s9 =	sadd.s32 $0xFFFFFEF7, lr;
	s5 =	simm.s32 $0xFFFFFFFF;
	p2 =	slt.u32 s8, $0xFFFFF086  }
0x1c: {  	p1 =	slt.u32 s9, $0xF7A;
	s5 =	simm.s32 @!p2 $0x0  }
0x1d: {  	s5 =	simm.s32 @p1 $0x1;
	p0 =	seq.s32 s7, s2  }
0x1e: {  	s7 =	smul.u32 @!p0 $0xF7A, s2;
	p2 =	seq.s32 @!p0 s5, $0x0  }
0x1f: {  	s9 =	smul.u32 $0xF7A, s1;
	s8 =	simm.s32 @!p0 $0x1BF5;
	p2 =	por !p2, p0  }
0x20: {  	[sflag:s8] =	ssyncset.s32 @!p0 $0xFFFFF086;
	s6 =	sadd.s32 @!p0 s3, s7;
	s7 =	simm.s32 @!p0 $0x108  }
0x21: {  	s3 =	sadd.s32 s3, s9;
	s6 =	sadd.s32 @!p0 $0x88, s6;
	s7 =	simm.s32 @p2 $0x1082  }
0x22: {  	[simem:s7], [sflag:s8] =	dma.local @!p0 [hbm:s6], $0xF7A  }
0x23: {  	s9 =	sor.u32 $0xD0000000, s2;
	s6 =	simm.s32 $0x108;
	_ =	swait.ge @!p0 [sflag:s8], $0x0  }
0x24: {  	s3 =	sadd.s32 $0x88, s3;
	s6 =	simm.s32 @!p1 $0x1082;
	[sflag:s4] =	ssyncset.s32 $0xFFFFF086  }
0x25: {  	[simem:s6], [sflag:s4] =	dma.local [hbm:s3], $0xF7A  }
0x26: {  	[smem:$0x3F9A] =	sst s1;
	(tag) =	ssettag s2;
	_ =	strace s9  }
0x27: {  	s1 =	sld [smem:$0x3FAA]  }
0x28: {  	s2 =	sld [smem:$0x3FAB]  }
0x29: {  	s4 =	sld [smem:$0x3FAD]  }
0x2a: {  	p0 =	seq.s32 s5, $0x0;
	s5 =	sld [smem:$0x3FAE]  }
0x2b: {  	s6 =	sld [smem:$0x3FAF]  }
0x2c: {  	s7 =	sld [smem:$0x3FB0]  }
0x2d: {  	s3 =	simm.s32 $0x108;
	s8 =	sld [smem:$0x3FB1]  }
0x2e: {  	s3 =	simm.s32 @!p0 $0x1082;
	s9 =	sld [smem:$0x3FB2]  }
0x2f: {  	lr =	sadd.s32 s0, s3;
	s0 =	sld [smem:$0x3FA9]  }
0x30: {  	s3 =	sld [smem:$0x3FAC]  }
0x31: {  	[smem:$0x3FB5] =	sst s10  }
0x32: {  	s10 =	sld [smem:$0x3FB3];
	_ =	sdelay $0x3  }
0x33: {  	p0 =	seq.s32 s10, $0x1;
	s10 =	sld [smem:$0x3FB5];
	_ =	sdelay $0x3  }
0x34: {  	[smem:$0x3FB5] =	sst s10  }
0x35: {  	s10 =	sld [smem:$0x3FB4];
	_ =	sdelay $0x3  }
0x36: {  	p1 =	seq.s32 s10, $0x1;
	s10 =	sld [smem:$0x3FB5];
	_ =	sdelay $0x3  }
0x37: {  	[smem:$0x3FB5] =	sst s10  }
0x38: {  	s10 =	sld [smem:$0x3FB6]  }
0x39: {  	_ = 	snop;
	(pc) =	sbr.ind lr, $3  }
0x3a: {  	_ = 	snop  }
0x3b: {  	_ = 	snop  }
0x3c: {  	p2 =	seq.s32 s10, $0x1;
	s10 =	sld [smem:$0x3FB5]  }
0x3d: {  	_ =	shalt  }
0x3e: {  	_ =	shalt  }
0x3f: {  	_ =	shalt  }
0x40: {  	_ =	shalt  }
0x41: {  	_ =	shalt  }
0x42: {  	_ =	shalt  }
0x43: {  	_ =	shalt  }
0x44: {  	_ =	shalt  }
0x45: {  	_ =	shalt  }
0x46: {  	_ =	shalt  }
0x47: {  	_ =	shalt  }
0x48: {  	_ =	shalt  }
0x49: {  	_ =	shalt  }
0x4a: {  	_ =	shalt  }
0x4b: {  	_ =	shalt  }
0x4c: {  	_ =	shalt  }
0x4d: {  	_ =	shalt  }
0x4e: {  	_ =	shalt  }
0x4f: {  	_ =	shalt  }
0x50: {  	_ =	shalt  }
0x51: {  	_ =	shalt  }
0x52: {  	_ =	shalt  }
0x53: {  	_ =	shalt  }
0x54: {  	_ =	shalt  }
0x55: {  	_ =	shalt  }
0x56: {  	_ =	shalt  }
0x57: {  	_ =	shalt  }
0x58: {  	_ =	shalt  }
0x59: {  	_ =	shalt  }
0x5a: {  	_ =	shalt  }
0x5b: {  	_ =	shalt  }
0x5c: {  	_ =	shalt  }
0x5d: {  	_ =	shalt  }
0x5e: {  	_ =	shalt  }
0x5f: {  	_ =	shalt  }
0x60: {  	_ =	shalt  }
0x61: {  	_ =	shalt  }
0x62: {  	_ =	shalt  }
0x63: {  	_ =	shalt  }
0x64: {  	_ =	shalt  }
0x65: {  	_ =	shalt  }
0x66: {  	_ =	shalt  }
0x67: {  	_ =	shalt  }
0x68: {  	_ =	shalt  }
0x69: {  	_ =	shalt  }
0x6a: {  	_ =	shalt  }
0x6b: {  	_ =	shalt  }
0x6c: {  	_ =	shalt  }
0x6d: {  	_ =	shalt  }
0x6e: {  	_ =	shalt  }
0x6f: {  	_ =	shalt  }
0x70: {  	_ =	shalt  }
0x71: {  	_ =	shalt  }
0x72: {  	_ =	shalt  }
0x73: {  	_ =	shalt  }
0x74: {  	_ =	shalt  }
0x75: {  	_ =	shalt  }
0x76: {  	_ =	shalt  }
0x77: {  	_ =	shalt  }
0x78: {  	_ =	shalt  }
0x79: {  	_ =	shalt  }
0x7a: {  	_ =	shalt  }
0x7b: {  	_ =	shalt  }
0x7c: {  	_ =	shalt  }
0x7d: {  	_ =	shalt  }
0x7e: {  	_ =	shalt  }
0x7f: {  	_ =	shalt  }
0x80: {  	_ =	shalt  }
0x81: {  	_ =	shalt  }
0x82: {  	_ =	shalt  }
0x83: {  	_ =	shalt  }
0x84: {  	_ =	shalt  }
0x85: {  	_ =	shalt  }
0x86: {  	_ =	shalt  }
0x87: {  	_ =	shalt  }
.Lfunc_end0:
.L_simem_size_0:
called_computation_lowered:
.L_overlay_start_0:
0x88: {  	s2 =	sld [smem:$0x3FD9]  }
0x89: {  	s3 =	sld [smem:$0x3FFE];
	_ =	sdelay $0x1  }
0x8a: {  	s1 =	srdreg.scid  }
0x8b: {  	s0 =	sand.u32 $0x1, s1  }
0x8c: {  	s16 =	sshll.u32 s0, $0xA;
	s2 =	sadd.s32 s3, s2  }
0x8d: {  	s2 =	sadd.s32 s2, s16  }
0x8e: {  	[smem:$0x3FC1] =	sst s2  }
0x8f: {  	_ = 	snop  }
0x90: {  	(tm) =	ssettm $0x1  }
0x91: {  	s17 =	sld [smem:$0x3FFB];
	_ =	sdelay $0x3  }
0x92: {  	_ =	strace s17  }
0x93: {  	s2 =	sld [smem:$0x3FFC];
	_ =	sdelay $0x3  }
0x94: {  	_ =	strace s2  }
0x95: {  	s2 =	sld [smem:$0x3FFD];
	_ =	sdelay $0x3  }
0x96: {  	_ =	strace s2  }
0x97: {  	_ =	strace $0x8FFFFFFF  }
0x98: {  	s18 =	sld [smem:$0x3FDB];
	_ =	sdelay $0x1  }
0x99: {  	s19 =	simm.s32 $_scs_section_size  }
0x9a: {  	s4 =	simm.s32 $_size__tile_overlayer_lowered;
	s5 =	simm.s32 $_tile_overlayer_lowered  }
0x9b: {  	s22 =	simm.s32 $0x1BFF;
	s21 =	sshll.u32 s5, $0x1;
	s2 =	sadd.s32 s19, s18  }
0x9c: {  	s6 =	simm.s32 $0x0;
	s20 =	sshll.u32 s4, $0x1;
	s4 =	sadd.s32 s21, s2  }
0x9d: {  	[timem:s6], [sflag:s22] =	dma.local [hbm:s4], s20  }
0x9e: {  	_ =	swait.ge [sflag:s22], s20  }
0x9f: {  	s3 =	ssub.s32 $0x0, s20;
	[sflag:s22] =	ssyncset.done $0x0  }
0xa0: {  	[sflag:s22] =	ssyncadd.s32 s3;
	_ =	sdelay $0x1  }
0xa1: {  	s23 =	simm.s32 $0x1B8B  }
0xa2: {  	_ =	swait.ge [sflag:s23], $0x1  }
0xa3: {  	[sflag:s23] =	ssyncset.done $0x0  }
0xa4: {  	s25 =	simm.s32 $0x1B8E;
	s24 =	sld [smem:$0x3FFE];
	[sflag:s23] =	ssyncadd.s32 $0xFFFFFFFF  }
0xa5: {  	s26 =	simm.s32 $execute0_lowered;
	[smem:$0x3FD2] =	sst s25  }
0xa6: {  	s4 =	sshll.u32 s26, $0x1;
	_ =	strace $0x80000046;
	[dreg:$0x1] =	wrdreg $0xFFFFFFFF  }
0xa7: {  	s28 =	simm.s32 $_size_execute0_lowered;
	s2 =	sadd.s32 s2, s4;
	[dreg:$0x0] =	wrdreg $0x0  }
0xa8: {  	s4 =	sshll.u32 s28, $0x1;
	[dreg:$0x2] =	wrdreg s2  }
0xa9: {  	[dreg:$0x3] =	wrdreg s4  }
0xaa: {  	[dreg:$0x4] =	wrdreg $0xC0  }
0xab: {  	_ =	task [dreg:s6], $0x5FFFF  }
0xac: {  	[dreg:$0x1] =	wrdreg $0xFFFFFFFF  }
0xad: {  	[dreg:$0x0] =	wrdreg $0x60  }
0xae: {  	[dreg:$0x2] =	wrdreg s24  }
0xaf: {  	[dreg:$0x3] =	wrdreg $0x9  }
0xb0: {  	_ =	task.clear_ibuf [dreg:s6], $0x4FFFF;
	_ =	strace $0x90000046  }
0xb1: {  	s29 =	simm.s32 $0x9;
	_ =	strace $0x80000048  }
0xb2: {  	_ =	swait.ge [sflag:s29], $0x1  }
0xb3: {  	[sflag:s29] =	ssyncadd.s32 $0xFFFFFFFF  }
0xb4: {  	_ =	strace $0x90000048  }
0xb5: {  	_ =	sfence  }
0xb6: {  	s30 =	sld [smem:$0x0];
	_ =	sdelay $0x2  }
0xb7: {  	s31 =	sshll.u32 s1, $0xD;
	s1 =	sshrl.u32 s1, $0x2  }
0xb8: {  	s3 =	sand.u32 $0x4000, s31;
	s1 =	sadd.s32 s1, s30  }
0xb9: {  	s0 =	sor.u32 s3, s0;
	s1 =	sshll.u32 s1, $0x11  }
0xba: {  	s0 =	sor.u32 s1, s0  }
0xbb: {  	s0 =	sadd.s32 $0x8F2B, s0  }
0xbc: {  	[sflag:s0] =	ssyncadd.remote.s32 $0x1  }
0xbd: {  	_ =	sfence.sel $0xFFFF  }
0xbe: {  	[dreg:$0x0] =	wrdreg $0xFFFFFFFF;
	(pc) =	sbr.abs _section_cstart, $3  }
0xbf: {  	[dreg:$0x1] =	wrdreg $0xFFFFFFFF  }
0xc0: {  	_ =	task.clear_ibuf [dreg:s6], $0x2FFFF;
	_ =	strace $0x9FFFFFFF  }
0xc1: {  	(tm) =	ssettm $0x7FFFFFFF  }
tec
execute0_lowered:
.L_overlay_start_1:
0x0: {  	(tag) =	ssettag $0x1  }
0x1: {  	s0 =	rddreg [dreg:$0x0]  }
0x2: {  	s1 =	srdreg.scid;
	s3 =	stileid.u32  }
0x3: {  	s2 =	simm.s32 $0x0;
	s17 =	simm.s32 $0x800;
	s18 =	simm.s32 $0x2000  }
0x4: {  	s19 =	simm.s32 $0x2800;
	s1 =	sand.u32 $0x1, s1;
	s3 =	sshll.u32 s3, $0x1  }
0x5: {  	s20 =	simm.s32 $0x1;
	s28 =	simm.s32 $0x6;
	s7 =	sor.u32 s1, s3  }
0x6: {  	s29 =	simm.s32 $0x7;
	s30 =	simm.s32 $0x3800;
	s8 =	smul.u32 $0x7D, s7  }
0x7: {  	s31 =	simm.s32 $0x0;
	[smem:$0x7FF] =	sst s2;
	s5 =	smul.u32 $0x30D40, s7  }
0x8: {  	s4 =	sadd.s32 $0xC4800, s0;
	s10 =	sadd.s32 $0xC8800, s0;
	s11 =	smul.u32 $0xFA0, s7  }
0x9: {  	s1 =	ssub.s32 $0x2, s1;
	s9 =	sshllo.u32 s7, $0x1;
	s7 =	smul.u32 $0xFA, s7  }
0xa: {  	_ =	strace $0x80000047;
	s21 =	sshrl.u32 s1, $0x1;
	s6 =	smul.u32 $0x186A0, s9  }
0xb: {  	s3 =	sadd.s32 $0x1200, s0;
	s1 =	ssub.s32 s1, s21;
	s9 =	smul.u32 $0x7D, s9  }
0xc: {  	s21 =	simm.s32 $0x2;
	s0 =	sadd.s32 s8, s0;
	s22 =	sshrl.u32 s5, $0x3  }
0xd: {  	s7 =	sadd.s32 s10, s7;
	s24 =	sshrl.u32 s11, $0x3;
	s26 =	smax.u32 s1, $0x1  }
0xe: {  	s8 =	sadd.s32 s3, s22;
	s23 =	sshrl.u32 s6, $0x3;
	[dreg:$0x4] =	wrdreg s7  }
0xf: {  	s25 =	sadd.s32 s10, s9;
	s0 =	sadd.s32 $0xCA800, s0;
	[dreg:$0x7] =	wrdreg s26  }
0x10: {  	s12 =	sadd.s32 s4, s24;
	s22 =	simm.s32 $0x3;
	[dreg:$0x2] =	wrdreg s8  }
0x11: {  	s24 =	simm.s32 $0x3400;
	s26 =	simm.s32 $0x5;
	[dreg:$0x5] =	wrdreg s25  }
0x12: {  	s8 =	sadd.s32 s3, s23;
	[dreg:$0x6] =	wrdreg s0;
	s14 =	sadd.s32 $0xFA, s12  }
0x13: {  	v0 =	vimm.f32 $0.0e+00;
	v1 =	vimm.f32 $1.000000000e+00;
	s23 =	simm.s32 $0x3000;
	s25 =	simm.s32 $0x4;
	[dreg:$0x3] =	wrdreg s8  }
.LBB2_1:
0x14: {  	s0 =	simm.s32 $0x40;
	s1 =	simm.s32 $0x0  }
.LBB2_2:
0x15: {  	p0 =	sne.s32 s0, $0xF80;
	[tilespmem:s1+$0x3800] =	vst v0;
	s7 =	smov.u32 s0;
	s0 =	sadd.s32 $0x40, s0  }
.Ltmp0:
0x16: {  	[tilespmem:s1+$0x3000] =	vst v0;
	(pc) =	sbr.rel @p0 .LBB2_2-.Ltmp0, $2  }
0x17: {  	[tilespmem:s1+$0x3400] =	vst v0;
	_ =	sdelay $0x2  }
0x18: {  	s1 =	sshra.s32 s7, $0x2  }
0x19: {  	[tilespmem:s1+$0x3800] =	vst v0  }
0x1a: {  	[tilespmem:s1+$0x3000] =	vst v0  }
0x1b: {  	[tilespmem:s1+$0x3400] =	vst v0;
	s0 =	simm.s32 $0x0  }
0x1c: {  	[tilespmem:s0], [sflag:$0x1] =	stream.linear.gather [hbm4b:s4+s0], $0x7D0, $0x38;
	[tilespmem:$0x3C00] =	vst v63  }
0x1d: {  	s13 =	rddreg [dreg:$0x2];
	s7 =	simm.s32 $0x1000  }
0x1e: {  	[tilespmem:s7], [sflag:$0x2] =	stream.linear.gather [hbm4b:s13+s0], $0x7D0, $0x38;
	[tilespmem:$0x3C00] =	vst v63  }
0x1f: {  	s15 =	rddreg [dreg:$0x3];
	s16 =	simm.s32 $0x1800;
	s1 =	simm.s32 $0x0  }
0x20: {  	[tilespmem:s16], [sflag:$0x3] =	stream.linear.gather [hbm4b:s15+s0], $0x7D0, $0x38;
	[tilespmem:$0x3C00] =	vst v63  }
.LBB2_4:
0x21: {  	s15 =	smul.u32 $0xFA0, s1;
	_ =	sdelay $0x1  }
0x22: {  	s7 =	sadd.s32 $0x7D0, s15  }
0x23: {  	s8 =	sshrl.u32 s7, $0x3  }
0x24: {  	s16 =	sadd.s32 s5, s7;
	s8 =	sadd.s32 s4, s8  }
0x25: {  	[tilespmem:s17], [sflag:$0x4] =	stream.linear.gather [hbm4b:s8+s0], $0x7D0, $0x38;
	[tilespmem:$0x3C00] =	vst v63  }
0x26: {  	s7 =	sadd.s32 s6, s7;
	s8 =	sshrl.u32 s16, $0x3  }
0x27: {  	s7 =	sshrl.u32 s7, $0x3;
	s8 =	sadd.s32 s3, s8  }
0x28: {  	[tilespmem:s18], [sflag:$0x5] =	stream.linear.gather [hbm4b:s8+s0], $0x7D0, $0x38;
	[tilespmem:$0x3C00] =	vst v63  }
0x29: {  	s7 =	sadd.s32 s3, s7  }
0x2a: {  	[tilespmem:s19], [sflag:$0x6] =	stream.linear.gather [hbm4b:s7+s0], $0x7D0, $0x38;
	[tilespmem:$0x3C00] =	vst v63  }
0x2b: {  	_ =	swait.ge [sflag:s20], $0x7D0  }
0x2c: {  	[sflag:s20] =	ssyncset.done $0x0  }
0x2d: {  	[sflag:s20] =	ssyncadd.s32 $0xFFFFF830  }
0x2e: {  	_ =	swait.ge [sflag:s21], $0x7D0  }
0x2f: {  	[sflag:s21] =	ssyncset.done $0x0  }
0x30: {  	[sflag:s21] =	ssyncadd.s32 $0xFFFFF830  }
0x31: {  	s9 =	simm.s32 $0x0;
	_ =	swait.ge [sflag:s22], $0x7D0  }
0x32: {  	s10 =	simm.s32 $0x0;
	s16 =	simm.s32 $0x18C0;
	[sflag:s22] =	ssyncset.done $0x0  }
0x33: {  	s8 =	simm.s32 $0xC0;
	s7 =	simm.s32 $0x10C0;
	[sflag:s22] =	ssyncadd.s32 $0xFFFFF830  }
.LBB2_5:
0x34: {  	v2 =	vld [tilespmem:s8+$0xFFFFFF40];
	_ =	sdelay $0x2  }
0x35: {  	v3 =	vld [tilespmem:s7+$0xFFFFFF40];
	_ =	sdelay $0x4  }
0x36: {  	[tilespmem:v2+s23+$0x0] =	vst.idx.add.f32.msk $0xffff, v3  }
0x37: {  	v3 =	vld [tilespmem:s16+$0xFFFFFF40];
	_ =	sdelay $0x4  }
0x38: {  	[tilespmem:v2+s24+$0x0] =	vst.idx.add.f32.msk $0xffff, v3  }
0x39: {  	v2 =	vld [tilespmem:s8+$0xFFFFFF50];
	_ =	sdelay $0x2  }
0x3a: {  	v3 =	vld [tilespmem:s7+$0xFFFFFF50];
	_ =	sdelay $0x4  }
0x3b: {  	[tilespmem:v2+s23+$0x0] =	vst.idx.add.f32.msk $0xffff, v3  }
0x3c: {  	v3 =	vld [tilespmem:s16+$0xFFFFFF50];
	_ =	sdelay $0x4  }
0x3d: {  	[tilespmem:v2+s24+$0x0] =	vst.idx.add.f32.msk $0xffff, v3  }
0x3e: {  	v2 =	vld [tilespmem:s8+$0xFFFFFF60];
	_ =	sdelay $0x2  }
0x3f: {  	v3 =	vld [tilespmem:s7+$0xFFFFFF60];
	_ =	sdelay $0x4  }
0x40: {  	[tilespmem:v2+s23+$0x0] =	vst.idx.add.f32.msk $0xffff, v3  }
0x41: {  	v3 =	vld [tilespmem:s16+$0xFFFFFF60];
	_ =	sdelay $0x4  }
0x42: {  	[tilespmem:v2+s24+$0x0] =	vst.idx.add.f32.msk $0xffff, v3  }
0x43: {  	v2 =	vld [tilespmem:s8+$0xFFFFFF70];
	_ =	sdelay $0x2  }
0x44: {  	v3 =	vld [tilespmem:s7+$0xFFFFFF70];
	_ =	sdelay $0x4  }
0x45: {  	[tilespmem:v2+s23+$0x0] =	vst.idx.add.f32.msk $0xffff, v3  }
0x46: {  	v3 =	vld [tilespmem:s16+$0xFFFFFF70];
	_ =	sdelay $0x4  }
0x47: {  	[tilespmem:v2+s24+$0x0] =	vst.idx.add.f32.msk $0xffff, v3  }
0x48: {  	v2 =	vld [tilespmem:s8+$0xFFFFFF80];
	_ =	sdelay $0x2  }
0x49: {  	v3 =	vld [tilespmem:s7+$0xFFFFFF80];
	_ =	sdelay $0x4  }
0x4a: {  	[tilespmem:v2+s23+$0x0] =	vst.idx.add.f32.msk $0xffff, v3  }
0x4b: {  	v3 =	vld [tilespmem:s16+$0xFFFFFF80];
	_ =	sdelay $0x4  }
0x4c: {  	[tilespmem:v2+s24+$0x0] =	vst.idx.add.f32.msk $0xffff, v3  }
0x4d: {  	v2 =	vld [tilespmem:s8+$0xFFFFFF90];
	_ =	sdelay $0x2  }
0x4e: {  	v3 =	vld [tilespmem:s7+$0xFFFFFF90];
	_ =	sdelay $0x4  }
0x4f: {  	[tilespmem:v2+s23+$0x0] =	vst.idx.add.f32.msk $0xffff, v3  }
0x50: {  	v3 =	vld [tilespmem:s16+$0xFFFFFF90];
	_ =	sdelay $0x4  }
0x51: {  	[tilespmem:v2+s24+$0x0] =	vst.idx.add.f32.msk $0xffff, v3  }
0x52: {  	v2 =	vld [tilespmem:s8+$0xFFFFFFA0];
	_ =	sdelay $0x2  }
0x53: {  	v3 =	vld [tilespmem:s7+$0xFFFFFFA0];
	_ =	sdelay $0x4  }
0x54: {  	[tilespmem:v2+s23+$0x0] =	vst.idx.add.f32.msk $0xffff, v3  }
0x55: {  	v3 =	vld [tilespmem:s16+$0xFFFFFFA0];
	_ =	sdelay $0x4  }
0x56: {  	[tilespmem:v2+s24+$0x0] =	vst.idx.add.f32.msk $0xffff, v3  }
0x57: {  	v2 =	vld [tilespmem:s8+$0xFFFFFFB0];
	_ =	sdelay $0x2  }
0x58: {  	v3 =	vld [tilespmem:s7+$0xFFFFFFB0];
	_ =	sdelay $0x4  }
0x59: {  	[tilespmem:v2+s23+$0x0] =	vst.idx.add.f32.msk $0xffff, v3  }
0x5a: {  	v3 =	vld [tilespmem:s16+$0xFFFFFFB0];
	_ =	sdelay $0x3  }
0x5b: {  	s11 =	sand.u32 $0x3FFFFF80, s9;
	s13 =	sshra.s32 s10, $0x2  }
0x5c: {  	s11 =	sadd.s32 s13, s11;
	[tilespmem:v2+s24+$0x0] =	vst.idx.add.f32.msk $0xffff, v3  }
0x5d: {  	v2 =	vld [tilespmem:s11+$0x80];
	_ =	sdelay $0x2  }
0x5e: {  	v3 =	vld [tilespmem:s11+$0x1080];
	_ =	sdelay $0x4  }
0x5f: {  	[tilespmem:v2+s23+$0x0] =	vst.idx.add.f32.msk $0xffff, v3  }
0x60: {  	v3 =	vld [tilespmem:s11+$0x1880];
	_ =	sdelay $0x4  }
0x61: {  	[tilespmem:v2+s24+$0x0] =	vst.idx.add.f32.msk $0xffff, v3  }
0x62: {  	v2 =	vld [tilespmem:s8+$0xFFFFFFD0];
	_ =	sdelay $0x2  }
0x63: {  	v3 =	vld [tilespmem:s7+$0xFFFFFFD0];
	_ =	sdelay $0x4  }
0x64: {  	[tilespmem:v2+s23+$0x0] =	vst.idx.add.f32.msk $0xffff, v3  }
0x65: {  	v3 =	vld [tilespmem:s16+$0xFFFFFFD0];
	_ =	sdelay $0x4  }
0x66: {  	[tilespmem:v2+s24+$0x0] =	vst.idx.add.f32.msk $0xffff, v3  }
0x67: {  	v2 =	vld [tilespmem:s8+$0xFFFFFFE0];
	_ =	sdelay $0x2  }
0x68: {  	v3 =	vld [tilespmem:s7+$0xFFFFFFE0];
	_ =	sdelay $0x4  }
0x69: {  	[tilespmem:v2+s23+$0x0] =	vst.idx.add.f32.msk $0xffff, v3  }
0x6a: {  	v3 =	vld [tilespmem:s16+$0xFFFFFFE0];
	_ =	sdelay $0x4  }
0x6b: {  	[tilespmem:v2+s24+$0x0] =	vst.idx.add.f32.msk $0xffff, v3  }
0x6c: {  	v2 =	vld [tilespmem:s8+$0xFFFFFFF0];
	_ =	sdelay $0x2  }
0x6d: {  	v3 =	vld [tilespmem:s7+$0xFFFFFFF0];
	_ =	sdelay $0x4  }
0x6e: {  	[tilespmem:v2+s23+$0x0] =	vst.idx.add.f32.msk $0xffff, v3  }
0x6f: {  	v3 =	vld [tilespmem:s16+$0xFFFFFFF0];
	_ =	sdelay $0x4  }
0x70: {  	[tilespmem:v2+s24+$0x0] =	vst.idx.add.f32.msk $0xffff, v3  }
0x71: {  	v2 =	vld [tilespmem:s8+$0x0];
	_ =	sdelay $0x2  }
0x72: {  	v3 =	vld [tilespmem:s7+$0x0];
	_ =	sdelay $0x4  }
0x73: {  	[tilespmem:v2+s23+$0x0] =	vst.idx.add.f32.msk $0xffff, v3  }
0x74: {  	v3 =	vld [tilespmem:s16+$0x0];
	_ =	sdelay $0x4  }
0x75: {  	[tilespmem:v2+s24+$0x0] =	vst.idx.add.f32.msk $0xffff, v3  }
0x76: {  	v2 =	vld [tilespmem:s8+$0x10];
	_ =	sdelay $0x2  }
0x77: {  	v3 =	vld [tilespmem:s7+$0x10];
	_ =	sdelay $0x4  }
0x78: {  	[tilespmem:v2+s23+$0x0] =	vst.idx.add.f32.msk $0xffff, v3  }
0x79: {  	v3 =	vld [tilespmem:s16+$0x10];
	_ =	sdelay $0x4  }
0x7a: {  	[tilespmem:v2+s24+$0x0] =	vst.idx.add.f32.msk $0xffff, v3  }
0x7b: {  	v2 =	vld [tilespmem:s8+$0x20];
	_ =	sdelay $0x2  }
0x7c: {  	v3 =	vld [tilespmem:s7+$0x20];
	_ =	sdelay $0x4  }
0x7d: {  	[tilespmem:v2+s23+$0x0] =	vst.idx.add.f32.msk $0xffff, v3  }
0x7e: {  	v3 =	vld [tilespmem:s16+$0x20];
	_ =	sdelay $0x4  }
0x7f: {  	[tilespmem:v2+s24+$0x0] =	vst.idx.add.f32.msk $0xffff, v3  }
0x80: {  	v2 =	vld [tilespmem:s8+$0x30];
	_ =	sdelay $0x2  }
0x81: {  	v3 =	vld [tilespmem:s7+$0x30];
	_ =	sdelay $0x4  }
0x82: {  	[tilespmem:v2+s23+$0x0] =	vst.idx.add.f32.msk $0xffff, v3  }
0x83: {  	v3 =	vld [tilespmem:s16+$0x30];
	_ =	sdelay $0x4  }
0x84: {  	[tilespmem:v2+s24+$0x0] =	vst.idx.add.f32.msk $0xffff, v3  }
0x85: {  	v2 =	vld [tilespmem:s11+$0x100];
	_ =	sdelay $0x2  }
0x86: {  	v3 =	vld [tilespmem:s11+$0x1100];
	_ =	sdelay $0x4  }
0x87: {  	[tilespmem:v2+s23+$0x0] =	vst.idx.add.f32.msk $0xffff, v3  }
0x88: {  	v3 =	vld [tilespmem:s11+$0x1900];
	_ =	sdelay $0x4  }
0x89: {  	[tilespmem:v2+s24+$0x0] =	vst.idx.add.f32.msk $0xffff, v3  }
0x8a: {  	v2 =	vld [tilespmem:s8+$0x50];
	_ =	sdelay $0x2  }
0x8b: {  	v3 =	vld [tilespmem:s7+$0x50];
	_ =	sdelay $0x4  }
0x8c: {  	[tilespmem:v2+s23+$0x0] =	vst.idx.add.f32.msk $0xffff, v3  }
0x8d: {  	v3 =	vld [tilespmem:s16+$0x50];
	_ =	sdelay $0x4  }
0x8e: {  	[tilespmem:v2+s24+$0x0] =	vst.idx.add.f32.msk $0xffff, v3  }
0x8f: {  	v2 =	vld [tilespmem:s8+$0x60];
	_ =	sdelay $0x2  }
0x90: {  	v3 =	vld [tilespmem:s7+$0x60];
	_ =	sdelay $0x4  }
0x91: {  	[tilespmem:v2+s23+$0x0] =	vst.idx.add.f32.msk $0xffff, v3  }
0x92: {  	v3 =	vld [tilespmem:s16+$0x60];
	_ =	sdelay $0x4  }
0x93: {  	[tilespmem:v2+s24+$0x0] =	vst.idx.add.f32.msk $0xffff, v3  }
0x94: {  	v2 =	vld [tilespmem:s8+$0x70];
	_ =	sdelay $0x2  }
0x95: {  	v3 =	vld [tilespmem:s7+$0x70];
	_ =	sdelay $0x4  }
0x96: {  	[tilespmem:v2+s23+$0x0] =	vst.idx.add.f32.msk $0xffff, v3  }
0x97: {  	v3 =	vld [tilespmem:s16+$0x70];
	_ =	sdelay $0x4  }
0x98: {  	[tilespmem:v2+s24+$0x0] =	vst.idx.add.f32.msk $0xffff, v3  }
0x99: {  	v2 =	vld [tilespmem:s8+$0x80];
	_ =	sdelay $0x2  }
0x9a: {  	v3 =	vld [tilespmem:s7+$0x80];
	_ =	sdelay $0x4  }
0x9b: {  	[tilespmem:v2+s23+$0x0] =	vst.idx.add.f32.msk $0xffff, v3  }
0x9c: {  	v3 =	vld [tilespmem:s16+$0x80];
	_ =	sdelay $0x4  }
0x9d: {  	[tilespmem:v2+s24+$0x0] =	vst.idx.add.f32.msk $0xffff, v3  }
0x9e: {  	v2 =	vld [tilespmem:s8+$0x90];
	_ =	sdelay $0x2  }
0x9f: {  	v3 =	vld [tilespmem:s7+$0x90];
	_ =	sdelay $0x4  }
0xa0: {  	[tilespmem:v2+s23+$0x0] =	vst.idx.add.f32.msk $0xffff, v3  }
0xa1: {  	v3 =	vld [tilespmem:s16+$0x90];
	_ =	sdelay $0x4  }
0xa2: {  	[tilespmem:v2+s24+$0x0] =	vst.idx.add.f32.msk $0xffff, v3  }
0xa3: {  	v2 =	vld [tilespmem:s8+$0xA0];
	_ =	sdelay $0x2  }
0xa4: {  	v3 =	vld [tilespmem:s7+$0xA0];
	_ =	sdelay $0x4  }
0xa5: {  	[tilespmem:v2+s23+$0x0] =	vst.idx.add.f32.msk $0xffff, v3  }
0xa6: {  	v3 =	vld [tilespmem:s16+$0xA0];
	_ =	sdelay $0x4  }
0xa7: {  	[tilespmem:v2+s24+$0x0] =	vst.idx.add.f32.msk $0xffff, v3  }
0xa8: {  	v2 =	vld [tilespmem:s8+$0xB0];
	_ =	sdelay $0x2  }
0xa9: {  	v3 =	vld [tilespmem:s7+$0xB0];
	_ =	sdelay $0x4  }
0xaa: {  	[tilespmem:v2+s23+$0x0] =	vst.idx.add.f32.msk $0xffff, v3  }
0xab: {  	v3 =	vld [tilespmem:s16+$0xB0];
	_ =	sdelay $0x4  }
0xac: {  	[tilespmem:v2+s24+$0x0] =	vst.idx.add.f32.msk $0xffff, v3  }
0xad: {  	v2 =	vld [tilespmem:s11+$0x180];
	_ =	sdelay $0x2  }
0xae: {  	v3 =	vld [tilespmem:s11+$0x1180];
	_ =	sdelay $0x4  }
0xaf: {  	[tilespmem:v2+s23+$0x0] =	vst.idx.add.f32.msk $0xffff, v3  }
0xb0: {  	p0 =	sne.s32 s10, $0x100;
	v3 =	vld [tilespmem:s11+$0x1980]  }
.Ltmp1:
0xb1: {  	_ = 	snop;
	(pc) =	sbr.rel @p0 .LBB2_5-.Ltmp1, $3  }
0xb2: {  	_ =	sdelay $0x1  }
0xb3: {  	s9 =	sadd.s32 $0x190, s9;
	s10 =	sadd.s32 $0x40, s10  }
0xb4: {  	s7 =	sadd.s32 $0x190, s7;
	s8 =	sadd.s32 $0x190, s8;
	s16 =	sadd.s32 $0x190, s16;
	[tilespmem:v2+s24+$0x0] =	vst.idx.add.f32.msk $0xffff, v3  }
0xb5: {  	p0 =	seq.s32 s1, $0x18  }
0xb6: {  	s7 =	sadd.s32 @!p0 $0xFA0, s15  }
0xb7: {  	s8 =	sshrl.u32 @!p0 s7, $0x3  }
0xb8: {  	s9 =	simm.s32 @!p0 $0x0;
	s8 =	sadd.s32 @!p0 s4, s8  }
0xb9: {  	[tilespmem:s9], [sflag:$0x1] =	stream.linear.gather @!p0 [hbm4b:s8+s9], $0x7D0, $0x38;
	[tilespmem:$0x3C00] =	vst v63  }
0xba: {  	s8 =	sadd.s32 @!p0 s5, s7  }
0xbb: {  	s7 =	sadd.s32 @!p0 s6, s7;
	s8 =	sshrl.u32 @!p0 s8, $0x3  }
0xbc: {  	s10 =	simm.s32 @!p0 $0x1000;
	s7 =	sshrl.u32 @!p0 s7, $0x3;
	s8 =	sadd.s32 @!p0 s3, s8  }
0xbd: {  	[tilespmem:s10], [sflag:$0x2] =	stream.linear.gather @!p0 [hbm4b:s8+s9], $0x7D0, $0x38;
	[tilespmem:$0x3C00] =	vst v63  }
0xbe: {  	s7 =	sadd.s32 @!p0 s3, s7;
	s8 =	simm.s32 @!p0 $0x1800  }
0xbf: {  	[tilespmem:s8], [sflag:$0x3] =	stream.linear.gather @!p0 [hbm4b:s7+s9], $0x7D0, $0x38;
	[tilespmem:$0x3C00] =	vst v63  }
0xc0: {  	_ =	swait.ge [sflag:s25], $0x7D0  }
0xc1: {  	[sflag:s25] =	ssyncset.done $0x0  }
0xc2: {  	[sflag:s25] =	ssyncadd.s32 $0xFFFFF830  }
0xc3: {  	_ =	swait.ge [sflag:s26], $0x7D0  }
0xc4: {  	[sflag:s26] =	ssyncset.done $0x0  }
0xc5: {  	[sflag:s26] =	ssyncadd.s32 $0xFFFFF830  }
0xc6: {  	s15 =	simm.s32 $0x0;
	_ =	swait.ge [sflag:s28], $0x7D0  }
0xc7: {  	s10 =	simm.s32 $0x0;
	s7 =	simm.s32 $0x28C0;
	[sflag:s28] =	ssyncset.done $0x0  }
0xc8: {  	s8 =	simm.s32 $0x20C0;
	s9 =	simm.s32 $0x8C0;
	[sflag:s28] =	ssyncadd.s32 $0xFFFFF830  }
.LBB2_7:
0xc9: {  	v2 =	vld [tilespmem:s9+$0xFFFFFF40];
	_ =	sdelay $0x2  }
0xca: {  	v3 =	vld [tilespmem:s8+$0xFFFFFF40];
	_ =	sdelay $0x4  }
0xcb: {  	[tilespmem:v2+s23+$0x0] =	vst.idx.add.f32.msk $0xffff, v3  }
0xcc: {  	v3 =	vld [tilespmem:s7+$0xFFFFFF40];
	_ =	sdelay $0x4  }
0xcd: {  	[tilespmem:v2+s24+$0x0] =	vst.idx.add.f32.msk $0xffff, v3  }
0xce: {  	v2 =	vld [tilespmem:s9+$0xFFFFFF50];
	_ =	sdelay $0x2  }
0xcf: {  	v3 =	vld [tilespmem:s8+$0xFFFFFF50];
	_ =	sdelay $0x4  }
0xd0: {  	[tilespmem:v2+s23+$0x0] =	vst.idx.add.f32.msk $0xffff, v3  }
0xd1: {  	v3 =	vld [tilespmem:s7+$0xFFFFFF50];
	_ =	sdelay $0x4  }
0xd2: {  	[tilespmem:v2+s24+$0x0] =	vst.idx.add.f32.msk $0xffff, v3  }
0xd3: {  	v2 =	vld [tilespmem:s9+$0xFFFFFF60];
	_ =	sdelay $0x2  }
0xd4: {  	v3 =	vld [tilespmem:s8+$0xFFFFFF60];
	_ =	sdelay $0x4  }
0xd5: {  	[tilespmem:v2+s23+$0x0] =	vst.idx.add.f32.msk $0xffff, v3  }
0xd6: {  	v3 =	vld [tilespmem:s7+$0xFFFFFF60];
	_ =	sdelay $0x4  }
0xd7: {  	[tilespmem:v2+s24+$0x0] =	vst.idx.add.f32.msk $0xffff, v3  }
0xd8: {  	v2 =	vld [tilespmem:s9+$0xFFFFFF70];
	_ =	sdelay $0x2  }
0xd9: {  	v3 =	vld [tilespmem:s8+$0xFFFFFF70];
	_ =	sdelay $0x4  }
0xda: {  	[tilespmem:v2+s23+$0x0] =	vst.idx.add.f32.msk $0xffff, v3  }
0xdb: {  	v3 =	vld [tilespmem:s7+$0xFFFFFF70];
	_ =	sdelay $0x4  }
0xdc: {  	[tilespmem:v2+s24+$0x0] =	vst.idx.add.f32.msk $0xffff, v3  }
0xdd: {  	v2 =	vld [tilespmem:s9+$0xFFFFFF80];
	_ =	sdelay $0x2  }
0xde: {  	v3 =	vld [tilespmem:s8+$0xFFFFFF80];
	_ =	sdelay $0x4  }
0xdf: {  	[tilespmem:v2+s23+$0x0] =	vst.idx.add.f32.msk $0xffff, v3  }
0xe0: {  	v3 =	vld [tilespmem:s7+$0xFFFFFF80];
	_ =	sdelay $0x4  }
0xe1: {  	[tilespmem:v2+s24+$0x0] =	vst.idx.add.f32.msk $0xffff, v3  }
0xe2: {  	v2 =	vld [tilespmem:s9+$0xFFFFFF90];
	_ =	sdelay $0x2  }
0xe3: {  	v3 =	vld [tilespmem:s8+$0xFFFFFF90];
	_ =	sdelay $0x4  }
0xe4: {  	[tilespmem:v2+s23+$0x0] =	vst.idx.add.f32.msk $0xffff, v3  }
0xe5: {  	v3 =	vld [tilespmem:s7+$0xFFFFFF90];
	_ =	sdelay $0x4  }
0xe6: {  	[tilespmem:v2+s24+$0x0] =	vst.idx.add.f32.msk $0xffff, v3  }
0xe7: {  	v2 =	vld [tilespmem:s9+$0xFFFFFFA0];
	_ =	sdelay $0x2  }
0xe8: {  	v3 =	vld [tilespmem:s8+$0xFFFFFFA0];
	_ =	sdelay $0x4  }
0xe9: {  	[tilespmem:v2+s23+$0x0] =	vst.idx.add.f32.msk $0xffff, v3  }
0xea: {  	v3 =	vld [tilespmem:s7+$0xFFFFFFA0];
	_ =	sdelay $0x4  }
0xeb: {  	[tilespmem:v2+s24+$0x0] =	vst.idx.add.f32.msk $0xffff, v3  }
0xec: {  	v2 =	vld [tilespmem:s9+$0xFFFFFFB0];
	_ =	sdelay $0x2  }
0xed: {  	v3 =	vld [tilespmem:s8+$0xFFFFFFB0];
	_ =	sdelay $0x4  }
0xee: {  	[tilespmem:v2+s23+$0x0] =	vst.idx.add.f32.msk $0xffff, v3  }
0xef: {  	v3 =	vld [tilespmem:s7+$0xFFFFFFB0];
	_ =	sdelay $0x3  }
0xf0: {  	s11 =	sand.u32 $0x3FFFFF80, s15;
	s13 =	sshra.s32 s10, $0x2  }
0xf1: {  	s16 =	sadd.s32 s13, s11;
	[tilespmem:v2+s24+$0x0] =	vst.idx.add.f32.msk $0xffff, v3  }
0xf2: {  	v2 =	vld [tilespmem:s16+$0x880];
	_ =	sdelay $0x2  }
0xf3: {  	v3 =	vld [tilespmem:s16+$0x2080];
	_ =	sdelay $0x4  }
0xf4: {  	[tilespmem:v2+s23+$0x0] =	vst.idx.add.f32.msk $0xffff, v3  }
0xf5: {  	v3 =	vld [tilespmem:s16+$0x2880];
	_ =	sdelay $0x4  }
0xf6: {  	[tilespmem:v2+s24+$0x0] =	vst.idx.add.f32.msk $0xffff, v3  }
0xf7: {  	v2 =	vld [tilespmem:s9+$0xFFFFFFD0];
	_ =	sdelay $0x2  }
0xf8: {  	v3 =	vld [tilespmem:s8+$0xFFFFFFD0];
	_ =	sdelay $0x4  }
0xf9: {  	[tilespmem:v2+s23+$0x0] =	vst.idx.add.f32.msk $0xffff, v3  }
0xfa: {  	v3 =	vld [tilespmem:s7+$0xFFFFFFD0];
	_ =	sdelay $0x4  }
0xfb: {  	[tilespmem:v2+s24+$0x0] =	vst.idx.add.f32.msk $0xffff, v3  }
0xfc: {  	v2 =	vld [tilespmem:s9+$0xFFFFFFE0];
	_ =	sdelay $0x2  }
0xfd: {  	v3 =	vld [tilespmem:s8+$0xFFFFFFE0];
	_ =	sdelay $0x4  }
0xfe: {  	[tilespmem:v2+s23+$0x0] =	vst.idx.add.f32.msk $0xffff, v3  }
0xff: {  	v3 =	vld [tilespmem:s7+$0xFFFFFFE0];
	_ =	sdelay $0x4  }
0x100: {  	[tilespmem:v2+s24+$0x0] =	vst.idx.add.f32.msk $0xffff, v3  }
0x101: {  	v2 =	vld [tilespmem:s9+$0xFFFFFFF0];
	_ =	sdelay $0x2  }
0x102: {  	v3 =	vld [tilespmem:s8+$0xFFFFFFF0];
	_ =	sdelay $0x4  }
0x103: {  	[tilespmem:v2+s23+$0x0] =	vst.idx.add.f32.msk $0xffff, v3  }
0x104: {  	v3 =	vld [tilespmem:s7+$0xFFFFFFF0];
	_ =	sdelay $0x4  }
0x105: {  	[tilespmem:v2+s24+$0x0] =	vst.idx.add.f32.msk $0xffff, v3  }
0x106: {  	v2 =	vld [tilespmem:s9+$0x0];
	_ =	sdelay $0x2  }
0x107: {  	v3 =	vld [tilespmem:s8+$0x0];
	_ =	sdelay $0x4  }
0x108: {  	[tilespmem:v2+s23+$0x0] =	vst.idx.add.f32.msk $0xffff, v3  }
0x109: {  	v3 =	vld [tilespmem:s7+$0x0];
	_ =	sdelay $0x4  }
0x10a: {  	[tilespmem:v2+s24+$0x0] =	vst.idx.add.f32.msk $0xffff, v3  }
0x10b: {  	v2 =	vld [tilespmem:s9+$0x10];
	_ =	sdelay $0x2  }
0x10c: {  	v3 =	vld [tilespmem:s8+$0x10];
	_ =	sdelay $0x4  }
0x10d: {  	[tilespmem:v2+s23+$0x0] =	vst.idx.add.f32.msk $0xffff, v3  }
0x10e: {  	v3 =	vld [tilespmem:s7+$0x10];
	_ =	sdelay $0x4  }
0x10f: {  	[tilespmem:v2+s24+$0x0] =	vst.idx.add.f32.msk $0xffff, v3  }
0x110: {  	v2 =	vld [tilespmem:s9+$0x20];
	_ =	sdelay $0x2  }
0x111: {  	v3 =	vld [tilespmem:s8+$0x20];
	_ =	sdelay $0x4  }
0x112: {  	[tilespmem:v2+s23+$0x0] =	vst.idx.add.f32.msk $0xffff, v3  }
0x113: {  	v3 =	vld [tilespmem:s7+$0x20];
	_ =	sdelay $0x4  }
0x114: {  	[tilespmem:v2+s24+$0x0] =	vst.idx.add.f32.msk $0xffff, v3  }
0x115: {  	v2 =	vld [tilespmem:s9+$0x30];
	_ =	sdelay $0x2  }
0x116: {  	v3 =	vld [tilespmem:s8+$0x30];
	_ =	sdelay $0x4  }
0x117: {  	[tilespmem:v2+s23+$0x0] =	vst.idx.add.f32.msk $0xffff, v3  }
0x118: {  	v3 =	vld [tilespmem:s7+$0x30];
	_ =	sdelay $0x4  }
0x119: {  	[tilespmem:v2+s24+$0x0] =	vst.idx.add.f32.msk $0xffff, v3  }
0x11a: {  	v2 =	vld [tilespmem:s16+$0x900];
	_ =	sdelay $0x2  }
0x11b: {  	v3 =	vld [tilespmem:s16+$0x2100];
	_ =	sdelay $0x4  }
0x11c: {  	[tilespmem:v2+s23+$0x0] =	vst.idx.add.f32.msk $0xffff, v3  }
0x11d: {  	v3 =	vld [tilespmem:s16+$0x2900];
	_ =	sdelay $0x4  }
0x11e: {  	[tilespmem:v2+s24+$0x0] =	vst.idx.add.f32.msk $0xffff, v3  }
0x11f: {  	v2 =	vld [tilespmem:s9+$0x50];
	_ =	sdelay $0x2  }
0x120: {  	v3 =	vld [tilespmem:s8+$0x50];
	_ =	sdelay $0x4  }
0x121: {  	[tilespmem:v2+s23+$0x0] =	vst.idx.add.f32.msk $0xffff, v3  }
0x122: {  	v3 =	vld [tilespmem:s7+$0x50];
	_ =	sdelay $0x4  }
0x123: {  	[tilespmem:v2+s24+$0x0] =	vst.idx.add.f32.msk $0xffff, v3  }
0x124: {  	v2 =	vld [tilespmem:s9+$0x60];
	_ =	sdelay $0x2  }
0x125: {  	v3 =	vld [tilespmem:s8+$0x60];
	_ =	sdelay $0x4  }
0x126: {  	[tilespmem:v2+s23+$0x0] =	vst.idx.add.f32.msk $0xffff, v3  }
0x127: {  	v3 =	vld [tilespmem:s7+$0x60];
	_ =	sdelay $0x4  }
0x128: {  	[tilespmem:v2+s24+$0x0] =	vst.idx.add.f32.msk $0xffff, v3  }
0x129: {  	v2 =	vld [tilespmem:s9+$0x70];
	_ =	sdelay $0x2  }
0x12a: {  	v3 =	vld [tilespmem:s8+$0x70];
	_ =	sdelay $0x4  }
0x12b: {  	[tilespmem:v2+s23+$0x0] =	vst.idx.add.f32.msk $0xffff, v3  }
0x12c: {  	v3 =	vld [tilespmem:s7+$0x70];
	_ =	sdelay $0x4  }
0x12d: {  	[tilespmem:v2+s24+$0x0] =	vst.idx.add.f32.msk $0xffff, v3  }
0x12e: {  	v2 =	vld [tilespmem:s9+$0x80];
	_ =	sdelay $0x2  }
0x12f: {  	v3 =	vld [tilespmem:s8+$0x80];
	_ =	sdelay $0x4  }
0x130: {  	[tilespmem:v2+s23+$0x0] =	vst.idx.add.f32.msk $0xffff, v3  }
0x131: {  	v3 =	vld [tilespmem:s7+$0x80];
	_ =	sdelay $0x4  }
0x132: {  	[tilespmem:v2+s24+$0x0] =	vst.idx.add.f32.msk $0xffff, v3  }
0x133: {  	v2 =	vld [tilespmem:s9+$0x90];
	_ =	sdelay $0x2  }
0x134: {  	v3 =	vld [tilespmem:s8+$0x90];
	_ =	sdelay $0x4  }
0x135: {  	[tilespmem:v2+s23+$0x0] =	vst.idx.add.f32.msk $0xffff, v3  }
0x136: {  	v3 =	vld [tilespmem:s7+$0x90];
	_ =	sdelay $0x4  }
0x137: {  	[tilespmem:v2+s24+$0x0] =	vst.idx.add.f32.msk $0xffff, v3  }
0x138: {  	v2 =	vld [tilespmem:s9+$0xA0];
	_ =	sdelay $0x2  }
0x139: {  	v3 =	vld [tilespmem:s8+$0xA0];
	_ =	sdelay $0x4  }
0x13a: {  	[tilespmem:v2+s23+$0x0] =	vst.idx.add.f32.msk $0xffff, v3  }
0x13b: {  	v3 =	vld [tilespmem:s7+$0xA0];
	_ =	sdelay $0x4  }
0x13c: {  	[tilespmem:v2+s24+$0x0] =	vst.idx.add.f32.msk $0xffff, v3  }
0x13d: {  	v2 =	vld [tilespmem:s9+$0xB0];
	_ =	sdelay $0x2  }
0x13e: {  	v3 =	vld [tilespmem:s8+$0xB0];
	_ =	sdelay $0x4  }
0x13f: {  	[tilespmem:v2+s23+$0x0] =	vst.idx.add.f32.msk $0xffff, v3  }
0x140: {  	v3 =	vld [tilespmem:s7+$0xB0];
	_ =	sdelay $0x4  }
0x141: {  	[tilespmem:v2+s24+$0x0] =	vst.idx.add.f32.msk $0xffff, v3  }
0x142: {  	v2 =	vld [tilespmem:s16+$0x980];
	_ =	sdelay $0x2  }
0x143: {  	v3 =	vld [tilespmem:s16+$0x2180];
	_ =	sdelay $0x4  }
0x144: {  	[tilespmem:v2+s23+$0x0] =	vst.idx.add.f32.msk $0xffff, v3  }
0x145: {  	p0 =	sne.s32 s10, $0x100;
	v3 =	vld [tilespmem:s16+$0x2980]  }
.Ltmp2:
0x146: {  	_ = 	snop;
	(pc) =	sbr.rel @p0 .LBB2_7-.Ltmp2, $3  }
0x147: {  	_ =	sdelay $0x1  }
0x148: {  	s15 =	sadd.s32 $0x190, s15;
	s10 =	sadd.s32 $0x40, s10  }
0x149: {  	s8 =	sadd.s32 $0x190, s8;
	s9 =	sadd.s32 $0x190, s9;
	s7 =	sadd.s32 $0x190, s7;
	[tilespmem:v2+s24+$0x0] =	vst.idx.add.f32.msk $0xffff, v3  }
0x14a: {  	s1 =	sadd.s32 $0x1, s1  }
0x14b: {  	p0 =	seq.s32 s1, $0x19  }
.Ltmp3:
0x14c: {  	_ = 	snop;
	(pc) =	sbr.rel @!p0 .LBB2_4-.Ltmp3, $1  }
0x14d: {  	_ =	sdelay $0x3  }
0x14e: {  	s0 =	simm.s32 $0x0  }
0x14f: {  	[tilespmem:s0], [sflag:$0x7] =	stream.linear.gather [hbm4b:s12+s0], $0x7D0, $0x38;
	[tilespmem:$0x3C00] =	vst v63  }
0x150: {  	_ =	swait.ge [sflag:s29], $0x7D0  }
0x151: {  	[sflag:s29] =	ssyncset.done $0x0  }
0x152: {  	s1 =	simm.s32 $0x0;
	s0 =	simm.s32 $0x40;
	[sflag:s29] =	ssyncadd.s32 $0xFFFFF830  }
.LBB2_10:
0x153: {  	p0 =	sne.s32 s0, $0x1F00;
	v2 =	vld [tilespmem:s1+$0x0];
	_ =	sdelay $0x3  }
.Ltmp4:
0x154: {  	(pc) =	sbr.rel @p0 .LBB2_10-.Ltmp4, $2  }
0x155: {  	_ =	sdelay $0x2  }
0x156: {  	s1 =	sshra.s32 s0, $0x2;
	s0 =	sadd.s32 $0x40, s0;
	[tilespmem:v2+s30+$0x0] =	vst.idx.add.f32.msk $0xffff, v1  }
0x157: {  	v2 =	vld [tilespmem:s1+$0x0];
	_ =	sdelay $0x7  }
0x158: {  	s0 =	simm.s32 $0x0;
	[tilespmem:v2+s30+$0x0] =	vst.idx.add.f32.msk $0xffff, v1  }
0x159: {  	[tilespmem:s0], [sflag:$0x7] =	stream.linear.gather [hbm4b:s14+s0], $0x7D0, $0x38;
	[tilespmem:$0x3C00] =	vst v63  }
0x15a: {  	_ =	swait.ge [sflag:s29], $0x7D0  }
0x15b: {  	[sflag:s29] =	ssyncset.done $0x0  }
0x15c: {  	s1 =	simm.s32 $0x0;
	s0 =	simm.s32 $0x40;
	[sflag:s29] =	ssyncadd.s32 $0xFFFFF830  }
.LBB2_12:
0x15d: {  	p0 =	sne.s32 s0, $0x1F00;
	v2 =	vld [tilespmem:s1+$0x0];
	_ =	sdelay $0x3  }
.Ltmp5:
0x15e: {  	(pc) =	sbr.rel @p0 .LBB2_12-.Ltmp5, $2  }
0x15f: {  	_ =	sdelay $0x2  }
0x160: {  	s1 =	sshra.s32 s0, $0x2;
	s0 =	sadd.s32 $0x40, s0;
	[tilespmem:v2+s30+$0x0] =	vst.idx.add.f32.msk $0xffff, v1  }
0x161: {  	v2 =	vld [tilespmem:s1+$0x0];
	_ =	sdelay $0x7  }
0x162: {  	s0 =	rddreg [dreg:$0x4];
	[tilespmem:v2+s30+$0x0] =	vst.idx.add.f32.msk $0xffff, v1  }
0x163: {  	[hbm4b:s0+s2] =	stream.linear.scatter [tilespmem:s23], [sflag:$0x7], $0x3E8, $0x38;
	[tilespmem:$0x3C00] =	vst v63  }
0x164: {  	_ =	swait.ge [sflag:s29], $0x3E8  }
0x165: {  	[sflag:s29] =	ssyncset.done $0x0  }
0x166: {  	s13 =	rddreg [dreg:$0x5];
	[sflag:s29] =	ssyncadd.s32 $0xFFFFFC18  }
0x167: {  	[hbm4b:s13+s2] =	stream.linear.scatter [tilespmem:s24], [sflag:$0x7], $0x3E8, $0x38;
	[tilespmem:$0x3C00] =	vst v63  }
0x168: {  	_ =	swait.ge [sflag:s29], $0x3E8  }
0x169: {  	[sflag:s29] =	ssyncset.done $0x0  }
0x16a: {  	s15 =	rddreg [dreg:$0x6];
	[sflag:s29] =	ssyncadd.s32 $0xFFFFFC18  }
0x16b: {  	[hbm4b:s15+s2] =	stream.linear.scatter [tilespmem:s30], [sflag:$0x7], $0x3E8, $0x38;
	[tilespmem:$0x3C00] =	vst v63  }
0x16c: {  	_ =	swait.ge [sflag:s29], $0x3E8  }
0x16d: {  	s31 =	sadd.s32 $0x1, s31;
	s16 =	rddreg [dreg:$0x7]  }
0x16e: {  	p0 =	sne.s32 s31, s16  }
.Ltmp6:
0x16f: {  	_ = 	snop;
	(pc) =	sbr.rel @p0 .LBB2_1-.Ltmp6, $3  }
0x170: {  	_ =	sdelay $0x1  }
0x171: {  	[sflag:s29] =	ssyncset.done $0x0  }
0x172: {  	[sflag:s29] =	ssyncadd.s32 $0xFFFFFC18  }
0x173: {  	_ =	sfence.sel $0x180000  }
0x174: {  	[bflag:$0x0] =	sbarrier.arrive $0xFFFF  }
0x175: {  	_ =	strace $0x90000047  }
0x176: {  	s0 =	stileid.u32;
	[bflag:$0x2] =	sbarrier.arrive $0xFFFF  }
0x177: {  	p0 =	sne.s32 s0, $0x0;
	s0 =	rddreg [dreg:$0x1]  }
0x178: {  	s0 =	sadd.s32 @!p0 $0x100000, s0  }
0x179: {  	[sflag:s0] =	ssyncadd.tile.s32 @!p0 $0x1;
	_ =	shalt  }
.Lfunc_end2:
_tile_overlayer_lowered:
.L_overlay_start_2:
0x17a: {  	(tag) =	ssettag $0x2  }
0x17b: {  	s0 =	rddreg [dreg:$0x0];
	s2 =	stileid.u32  }
0x17c: {  	s1 =	rddreg [dreg:$0x1];
	p0 =	sne.s32 s2, $0x0  }
0x17d: {  	s3 =	rddreg [dreg:$0x2];
	[bflag:$0x3] =	sbarrier.arrive $0xFFFF;
	s2 =	simm.s32 @!p0 $0x1C07  }
0x17e: {  	[timem:s3], [sflag:s2] =	dma.local @!p0 [hbm:s0], s1  }
0x17f: {  	s0 =	simm.s32 @!p0 $0x7  }
0x180: {  	_ =	swait.ge @!p0 [sflag:s0], s1  }
0x181: {  	s1 =	ssub.s32 @!p0 $0x0, s1;
	[sflag:s0] =	ssyncset.done @!p0 $0x0  }
0x182: {  	[sflag:s0] =	ssyncadd.s32 @!p0 s1  }
0x183: {  	[bflag:$0x3] =	sbarrier.arrive $0xFFFF  }
0x184: {  	_ =	shalt  }

</sc_bundles>
